<compile_context>
chip_gen: v7x
topology: tpu7x:2x2x1
jax: 0.10.2.dev20260603
libtpu: 0.0.44.dev20260713+nightly
codegen_flags: <defaults>
</compile_context>

<pallas_src>
import functools

import jax
import jax.numpy as jnp
from jax import lax
from jax.experimental import pallas as pl
from jax.experimental.pallas import tpu as pltpu
from jax.experimental.pallas import tpu_sc as plsc

B = 16384
EMB = 128
NC = 2
NS = 16
NW = NC * NS
BPW = B // NW
CHUNK = 128
NCHUNK = BPW // CHUNK


def _sc_gather(ug, ig, um, im, uidx, iidx):
    mesh = plsc.VectorSubcoreMesh(core_axis_name="c", subcore_axis_name="s")

    @functools.partial(
        pl.kernel,
        mesh=mesh,
        out_type=[jax.ShapeDtypeStruct((B, EMB), jnp.float32)] * 4,
        scratch_types=[
            pltpu.VMEM((NCHUNK, CHUNK), jnp.int32),
            pltpu.VMEM((NCHUNK, CHUNK), jnp.int32),
            pltpu.VMEM((BPW, EMB), jnp.float32),
            pltpu.SemaphoreType.DMA,
        ],
    )
    def k(ug_h, ig_h, um_h, im_h, uidx_h, iidx_h,
          o_ug, o_ig, o_um, o_im, uv, iv, rows, sem):
        wid = lax.axis_index("s") * NC + lax.axis_index("c")
        base = wid * BPW
        pltpu.sync_copy(uidx_h.at[wid], uv)
        pltpu.sync_copy(iidx_h.at[wid], iv)
        for table, idxv, out in ((ug_h, uv, o_ug), (ig_h, iv, o_ig),
                                 (um_h, uv, o_um), (im_h, iv, o_im)):
            copies = [
                pltpu.async_copy(table.at[idxv.at[j]],
                                 rows.at[pl.ds(j * CHUNK, CHUNK)], sem)
                for j in range(NCHUNK)
            ]
            for c in copies:
                c.wait()
            pltpu.sync_copy(rows, out.at[pl.ds(base, BPW)])

    return k(ug, ig, um, im, uidx, iidx)


def _tc_body(gu_r, gi_r, mu_r, mi_r, w0a_r, w0b_r, b0_r, w1_r, b1_r,
             w2_r, b2_r, wog_r, wox_r, bo_r, o_r):
    x = jnp.maximum(mu_r[...] @ w0a_r[...] + mi_r[...] @ w0b_r[...] + b0_r[...], 0.0)
    x = jnp.maximum(x @ w1_r[...] + b1_r[...], 0.0)
    x = jnp.maximum(x @ w2_r[...] + b2_r[...], 0.0)
    g = gu_r[...] * gi_r[...]
    p = g @ wog_r[...] + x @ wox_r[...] + bo_r[...]
    o_r[...] = jax.nn.sigmoid(p)


def _tc_forward(gu, gi, mu, mi, W0, b0, W1, b1, W2, b2, Wo, bo, bb=2048):
    w0a, w0b = W0[:EMB], W0[EMB:]
    wog, wox = Wo[:EMB], Wo[EMB:]
    full = lambda i: (0, 0)
    out = pl.pallas_call(
        _tc_body,
        grid=(B // bb,),
        in_specs=[
            pl.BlockSpec((bb, EMB), lambda i: (i, 0)),
            pl.BlockSpec((bb, EMB), lambda i: (i, 0)),
            pl.BlockSpec((bb, EMB), lambda i: (i, 0)),
            pl.BlockSpec((bb, EMB), lambda i: (i, 0)),
            pl.BlockSpec((EMB, 256), full),
            pl.BlockSpec((EMB, 256), full),
            pl.BlockSpec((1, 256), full),
            pl.BlockSpec((256, 128), full),
            pl.BlockSpec((1, 128), full),
            pl.BlockSpec((128, 64), full),
            pl.BlockSpec((1, 64), full),
            pl.BlockSpec((EMB, 1), full),
            pl.BlockSpec((64, 1), full),
            pl.BlockSpec((1, 1), full),
        ],
        out_specs=pl.BlockSpec((bb, 1), lambda i: (i, 0)),
        out_shape=jax.ShapeDtypeStruct((B, 1), jnp.float32),
    )(gu, gi, mu, mi, w0a, w0b, b0.reshape(1, 256), W1, b1.reshape(1, 128),
      W2, b2.reshape(1, 64), wog, wox, bo.reshape(1, 1))
    return out


def kernel(user_gmf_table, item_gmf_table, user_mlp_table, item_mlp_table,
           W0, b0, W1, b1, W2, b2, Wo, bo, user_indices, item_indices):
    uidx = user_indices.astype(jnp.int32).reshape(NW, NCHUNK, CHUNK)
    iidx = item_indices.astype(jnp.int32).reshape(NW, NCHUNK, CHUNK)
    gu, gi, mu, mi = _sc_gather(user_gmf_table, item_gmf_table,
                                user_mlp_table, item_mlp_table, uidx, iidx)
    out = _tc_forward(gu, gi, mu, mi, W0, b0, W1, b1, W2, b2, Wo, bo)
    return out.squeeze(-1)

# --- scband reference (transcript-rebuilt; emitter-appended) ---
"""Pipeline reference for scband-ncf-3667902071254 (READ-ONLY COPY).

The authoritative reference and input builder live on the scoring server;
editing this copy changes nothing except your own understanding.
"""

import jax, jax.numpy as jnp
import numpy as np

N_USERS = 100000
N_ITEMS = 100000
EMB = 128
LAYERS = [256, 128, 64]
BATCH = 16384


def _xavier(key, fan_in, fan_out):
    limit = float(np.sqrt(6.0 / (fan_in + fan_out)))
    return jax.random.uniform(key, (fan_in, fan_out), dtype=jnp.float32, minval=-limit, maxval=limit)


def setup_inputs(seed: int = 0) -> dict:
    key = jax.random.key(seed)
    ks = jax.random.split(key, 12)
    user_indices = jax.random.randint(ks[0], (BATCH,), 0, N_USERS, dtype=jnp.int32).astype(jnp.int64)
    item_indices = jax.random.randint(ks[1], (BATCH,), 0, N_ITEMS, dtype=jnp.int32).astype(jnp.int64)
    user_gmf_table = 0.01 * jax.random.normal(ks[2], (N_USERS, EMB), dtype=jnp.float32)
    item_gmf_table = 0.01 * jax.random.normal(ks[3], (N_ITEMS, EMB), dtype=jnp.float32)
    user_mlp_table = 0.01 * jax.random.normal(ks[4], (N_USERS, EMB), dtype=jnp.float32)
    item_mlp_table = 0.01 * jax.random.normal(ks[5], (N_ITEMS, EMB), dtype=jnp.float32)
    W0 = _xavier(ks[6], 2 * EMB, LAYERS[0]); b0 = jnp.zeros((LAYERS[0],), jnp.float32)
    W1 = _xavier(ks[7], LAYERS[0], LAYERS[1]); b1 = jnp.zeros((LAYERS[1],), jnp.float32)
    W2 = _xavier(ks[8], LAYERS[1], LAYERS[2]); b2 = jnp.zeros((LAYERS[2],), jnp.float32)
    Wo = _xavier(ks[9], EMB + LAYERS[2], 1); bo = jnp.zeros((1,), jnp.float32)
    return {
        "user_gmf_table": user_gmf_table, "item_gmf_table": item_gmf_table,
        "user_mlp_table": user_mlp_table, "item_mlp_table": item_mlp_table,
        "W0": W0, "b0": b0, "W1": W1, "b1": b1, "W2": W2, "b2": b2,
        "Wo": Wo, "bo": bo,
        "user_indices": user_indices, "item_indices": item_indices,
    }


def reference(user_gmf_table, item_gmf_table, user_mlp_table, item_mlp_table,
              W0, b0, W1, b1, W2, b2, Wo, bo, user_indices, item_indices):
    # GMF branch: embedding gathers + elementwise product
    user_gmf_emb = jnp.take(user_gmf_table, user_indices, axis=0)
    item_gmf_emb = jnp.take(item_gmf_table, item_indices, axis=0)
    gmf_output = user_gmf_emb * item_gmf_emb
    # MLP branch: embedding gathers + concat + stacked Linear+ReLU (dropout = identity at eval)
    user_mlp_emb = jnp.take(user_mlp_table, user_indices, axis=0)
    item_mlp_emb = jnp.take(item_mlp_table, item_indices, axis=0)
    x = jnp.concatenate([user_mlp_emb, item_mlp_emb], axis=1)
    x = jax.nn.relu(x @ W0 + b0)
    x = jax.nn.relu(x @ W1 + b1)
    x = jax.nn.relu(x @ W2 + b2)
    concat_output = jnp.concatenate([gmf_output, x], axis=1)
    prediction = concat_output @ Wo + bo
    return jax.nn.sigmoid(prediction).squeeze(-1)

if __name__ == "__main__":
    import jax
    _d = setup_inputs()
    print(jax.jit(kernel)(*tuple(_d.values())))

</pallas_src>

<mosaic_0001>
#map = affine_map<(d0, d1) -> (0, 0)>
#map1 = affine_map<(d0, d1) -> (0, 0, 0)>
module attributes {stable_mosaic.version = 14 : i64} {
  func.func @k(%arg0: i32, %arg1: i32, %arg2: memref<100000x128xf32, #tpu.memory_space<hbm>>, %arg3: memref<100000x128xf32, #tpu.memory_space<hbm>>, %arg4: memref<100000x128xf32, #tpu.memory_space<hbm>>, %arg5: memref<100000x128xf32, #tpu.memory_space<hbm>>, %arg6: memref<32x4x128xi32, #tpu.memory_space<hbm>>, %arg7: memref<32x4x128xi32, #tpu.memory_space<hbm>>, %arg8: memref<16384x128xf32, #tpu.memory_space<hbm>>, %arg9: memref<16384x128xf32, #tpu.memory_space<hbm>>, %arg10: memref<16384x128xf32, #tpu.memory_space<hbm>>, %arg11: memref<16384x128xf32, #tpu.memory_space<hbm>>, %arg12: memref<4x128xi32, #tpu.memory_space<vmem>>, %arg13: memref<4x128xi32, #tpu.memory_space<vmem>>, %arg14: memref<512x128xf32, #tpu.memory_space<vmem>>, %arg15: memref<!tpu.dma_semaphore, #tpu.memory_space<semaphore_mem>>) attributes {dimension_semantics = [#tpu.dimension_semantics<core_parallel>, #tpu.dimension_semantics<subcore_parallel>], iteration_bounds = array<i64: 2, 16>, scalar_prefetch = 0 : i64, scratch_operands = 4 : i64, tpu.core_type = #tpu.core_type<sc_vector_subcore>, window_params = [{transform_indices = #map}, {transform_indices = #map}, {transform_indices = #map}, {transform_indices = #map}, {transform_indices = #map1}, {transform_indices = #map1}, {transform_indices = #map}, {transform_indices = #map}, {transform_indices = #map}, {transform_indices = #map}]} {
    %mul3A = arith.constant 2 : i32
    %mul3A_0 = arith.muli %arg1, %mul3A : i32
    %add3A = arith.addi %mul3A_0, %arg0 : i32
    %mul3A_1 = arith.constant 512 : i32
    %mul3A_2 = arith.muli %add3A, %mul3A_1 : i32
    "tpu.region"() ({
      %run_scoped3A = tpu.sem_alloc : memref<!tpu.dma_semaphore, #tpu.memory_space<semaphore_mem>>
      %dma_start3A_321 = arith.constant 0 : i32
      %dma_start3A_322 = arith.constant 0 : i32
      %dma_start3A_323 = tpu.memref_slice %arg6[%add3A, %dma_start3A_321, %dma_start3A_322] : memref<32x4x128xi32, #tpu.memory_space<hbm>> -> memref<1x4x128xi32, #tpu.memory_space<hbm>>
      %dma_start3A_324 = tpu.memref_squeeze %dma_start3A_323 : memref<1x4x128xi32, #tpu.memory_space<hbm>> -> memref<4x128xi32, #tpu.memory_space<hbm>>
      %dma_start3A_325 = arith.constant 0 : i32
      %dma_start3A_326 = arith.constant 0 : i32
      %dma_start3A_327 = tpu.memref_slice %arg6[%add3A, %dma_start3A_325, %dma_start3A_326] : memref<32x4x128xi32, #tpu.memory_space<hbm>> -> memref<1x4x128xi32, #tpu.memory_space<hbm>>
      %dma_start3A_328 = tpu.memref_squeeze %dma_start3A_327 : memref<1x4x128xi32, #tpu.memory_space<hbm>> -> memref<4x128xi32, #tpu.memory_space<hbm>>
      tpu.enqueue_dma source(%dma_start3A_328 : memref<4x128xi32, #tpu.memory_space<hbm>>) target(%arg12 : memref<4x128xi32, #tpu.memory_space<vmem>>) target_semaphore(%run_scoped3A : memref<!tpu.dma_semaphore, #tpu.memory_space<semaphore_mem>>)
      %dma_wait3A_329 = arith.constant 0 : i32
      %dma_wait3A_330 = arith.constant 0 : i32
      %dma_wait3A_331 = tpu.memref_slice %arg6[%add3A, %dma_wait3A_329, %dma_wait3A_330] : memref<32x4x128xi32, #tpu.memory_space<hbm>> -> memref<1x4x128xi32, #tpu.memory_space<hbm>>
      %dma_wait3A_332 = tpu.memref_squeeze %dma_wait3A_331 : memref<1x4x128xi32, #tpu.memory_space<hbm>> -> memref<4x128xi32, #tpu.memory_space<hbm>>
      %dma_wait3A_333 = arith.constant 0 : i32
      %dma_wait3A_334 = arith.constant 0 : i32
      %dma_wait3A_335 = tpu.memref_slice %arg6[%add3A, %dma_wait3A_333, %dma_wait3A_334] : memref<32x4x128xi32, #tpu.memory_space<hbm>> -> memref<1x4x128xi32, #tpu.memory_space<hbm>>
      %dma_wait3A_336 = tpu.memref_squeeze %dma_wait3A_335 : memref<1x4x128xi32, #tpu.memory_space<hbm>> -> memref<4x128xi32, #tpu.memory_space<hbm>>
      tpu.wait_dma2 semaphore(%run_scoped3A : memref<!tpu.dma_semaphore, #tpu.memory_space<semaphore_mem>>) src(%dma_wait3A_336 : memref<4x128xi32, #tpu.memory_space<hbm>>) dst(%arg12 : memref<4x128xi32, #tpu.memory_space<vmem>>)
      tpu.yield
    }) : () -> ()
    "tpu.region"() ({
      %run_scoped3A = tpu.sem_alloc : memref<!tpu.dma_semaphore, #tpu.memory_space<semaphore_mem>>
      %dma_start3A_321 = arith.constant 0 : i32
      %dma_start3A_322 = arith.constant 0 : i32
      %dma_start3A_323 = tpu.memref_slice %arg7[%add3A, %dma_start3A_321, %dma_start3A_322] : memref<32x4x128xi32, #tpu.memory_space<hbm>> -> memref<1x4x128xi32, #tpu.memory_space<hbm>>
      %dma_start3A_324 = tpu.memref_squeeze %dma_start3A_323 : memref<1x4x128xi32, #tpu.memory_space<hbm>> -> memref<4x128xi32, #tpu.memory_space<hbm>>
      %dma_start3A_325 = arith.constant 0 : i32
      %dma_start3A_326 = arith.constant 0 : i32
      %dma_start3A_327 = tpu.memref_slice %arg7[%add3A, %dma_start3A_325, %dma_start3A_326] : memref<32x4x128xi32, #tpu.memory_space<hbm>> -> memref<1x4x128xi32, #tpu.memory_space<hbm>>
      %dma_start3A_328 = tpu.memref_squeeze %dma_start3A_327 : memref<1x4x128xi32, #tpu.memory_space<hbm>> -> memref<4x128xi32, #tpu.memory_space<hbm>>
      tpu.enqueue_dma source(%dma_start3A_328 : memref<4x128xi32, #tpu.memory_space<hbm>>) target(%arg13 : memref<4x128xi32, #tpu.memory_space<vmem>>) target_semaphore(%run_scoped3A : memref<!tpu.dma_semaphore, #tpu.memory_space<semaphore_mem>>)
      %dma_wait3A_329 = arith.constant 0 : i32
      %dma_wait3A_330 = arith.constant 0 : i32
      %dma_wait3A_331 = tpu.memref_slice %arg7[%add3A, %dma_wait3A_329, %dma_wait3A_330] : memref<32x4x128xi32, #tpu.memory_space<hbm>> -> memref<1x4x128xi32, #tpu.memory_space<hbm>>
      %dma_wait3A_332 = tpu.memref_squeeze %dma_wait3A_331 : memref<1x4x128xi32, #tpu.memory_space<hbm>> -> memref<4x128xi32, #tpu.memory_space<hbm>>
      %dma_wait3A_333 = arith.constant 0 : i32
      %dma_wait3A_334 = arith.constant 0 : i32
      %dma_wait3A_335 = tpu.memref_slice %arg7[%add3A, %dma_wait3A_333, %dma_wait3A_334] : memref<32x4x128xi32, #tpu.memory_space<hbm>> -> memref<1x4x128xi32, #tpu.memory_space<hbm>>
      %dma_wait3A_336 = tpu.memref_squeeze %dma_wait3A_335 : memref<1x4x128xi32, #tpu.memory_space<hbm>> -> memref<4x128xi32, #tpu.memory_space<hbm>>
      tpu.wait_dma2 semaphore(%run_scoped3A : memref<!tpu.dma_semaphore, #tpu.memory_space<semaphore_mem>>) src(%dma_wait3A_336 : memref<4x128xi32, #tpu.memory_space<hbm>>) dst(%arg13 : memref<4x128xi32, #tpu.memory_space<vmem>>)
      tpu.yield
    }) : () -> ()
    %dma_start3A = arith.constant 0 : i32
    %dma_start3A_3 = arith.constant 0 : i32
    %dma_start3A_4 = arith.constant 0 : i32
    %dma_start3A_5 = tpu.memref_slice %arg14[%dma_start3A_3, %dma_start3A_4] : memref<512x128xf32, #tpu.memory_space<vmem>> -> memref<128x128xf32, #tpu.memory_space<vmem>>
    %dma_start3A_6 = arith.constant 0 : i32
    %dma_start3A_7 = tpu.memref_slice %arg12[%dma_start3A, %dma_start3A_6] : memref<4x128xi32, #tpu.memory_space<vmem>> -> memref<1x128xi32, #tpu.memory_space<vmem>>
    %dma_start3A_8 = tpu.memref_squeeze %dma_start3A_7 : memref<1x128xi32, #tpu.memory_space<vmem>> -> memref<128xi32, #tpu.memory_space<vmem>>
    %dma_start3A_9 = arith.constant 0 : i32
    %dma_start3A_10 = arith.constant 0 : i32
    %dma_start3A_11 = tpu.memref_slice %arg2[%dma_start3A_9, %dma_start3A_10] : memref<100000x128xf32, #tpu.memory_space<hbm>> -> memref<100000x128xf32, #tpu.memory_space<hbm>>
    tpu.enqueue_indirect_dma source(%dma_start3A_11 : memref<100000x128xf32, #tpu.memory_space<hbm>>) target(%dma_start3A_5 : memref<128x128xf32, #tpu.memory_space<vmem>>) offsets(%dma_start3A_8 : memref<128xi32, #tpu.memory_space<vmem>>) semaphore(%arg15 : memref<!tpu.dma_semaphore, #tpu.memory_space<semaphore_mem>>)
    %dma_start3A_12 = arith.constant 1 : i32
    %dma_start3A_13 = arith.constant 128 : i32
    %dma_start3A_14 = arith.constant 0 : i32
    %dma_start3A_15 = tpu.memref_slice %arg14[%dma_start3A_13, %dma_start3A_14] : memref<512x128xf32, #tpu.memory_space<vmem>> -> memref<128x128xf32, #tpu.memory_space<vmem>>
    %dma_start3A_16 = arith.constant 0 : i32
    %dma_start3A_17 = tpu.memref_slice %arg12[%dma_start3A_12, %dma_start3A_16] : memref<4x128xi32, #tpu.memory_space<vmem>> -> memref<1x128xi32, #tpu.memory_space<vmem>>
    %dma_start3A_18 = tpu.memref_squeeze %dma_start3A_17 : memref<1x128xi32, #tpu.memory_space<vmem>> -> memref<128xi32, #tpu.memory_space<vmem>>
    %dma_start3A_19 = arith.constant 0 : i32
    %dma_start3A_20 = arith.constant 0 : i32
    %dma_start3A_21 = tpu.memref_slice %arg2[%dma_start3A_19, %dma_start3A_20] : memref<100000x128xf32, #tpu.memory_space<hbm>> -> memref<100000x128xf32, #tpu.memory_space<hbm>>
    tpu.enqueue_indirect_dma source(%dma_start3A_21 : memref<100000x128xf32, #tpu.memory_space<hbm>>) target(%dma_start3A_15 : memref<128x128xf32, #tpu.memory_space<vmem>>) offsets(%dma_start3A_18 : memref<128xi32, #tpu.memory_space<vmem>>) semaphore(%arg15 : memref<!tpu.dma_semaphore, #tpu.memory_space<semaphore_mem>>)
    %dma_start3A_22 = arith.constant 2 : i32
    %dma_start3A_23 = arith.constant 256 : i32
    %dma_start3A_24 = arith.constant 0 : i32
    %dma_start3A_25 = tpu.memref_slice %arg14[%dma_start3A_23, %dma_start3A_24] : memref<512x128xf32, #tpu.memory_space<vmem>> -> memref<128x128xf32, #tpu.memory_space<vmem>>
    %dma_start3A_26 = arith.constant 0 : i32
    %dma_start3A_27 = tpu.memref_slice %arg12[%dma_start3A_22, %dma_start3A_26] : memref<4x128xi32, #tpu.memory_space<vmem>> -> memref<1x128xi32, #tpu.memory_space<vmem>>
    %dma_start3A_28 = tpu.memref_squeeze %dma_start3A_27 : memref<1x128xi32, #tpu.memory_space<vmem>> -> memref<128xi32, #tpu.memory_space<vmem>>
    %dma_start3A_29 = arith.constant 0 : i32
    %dma_start3A_30 = arith.constant 0 : i32
    %dma_start3A_31 = tpu.memref_slice %arg2[%dma_start3A_29, %dma_start3A_30] : memref<100000x128xf32, #tpu.memory_space<hbm>> -> memref<100000x128xf32, #tpu.memory_space<hbm>>
    tpu.enqueue_indirect_dma source(%dma_start3A_31 : memref<100000x128xf32, #tpu.memory_space<hbm>>) target(%dma_start3A_25 : memref<128x128xf32, #tpu.memory_space<vmem>>) offsets(%dma_start3A_28 : memref<128xi32, #tpu.memory_space<vmem>>) semaphore(%arg15 : memref<!tpu.dma_semaphore, #tpu.memory_space<semaphore_mem>>)
    %dma_start3A_32 = arith.constant 3 : i32
    %dma_start3A_33 = arith.constant 384 : i32
    %dma_start3A_34 = arith.constant 0 : i32
    %dma_start3A_35 = tpu.memref_slice %arg14[%dma_start3A_33, %dma_start3A_34] : memref<512x128xf32, #tpu.memory_space<vmem>> -> memref<128x128xf32, #tpu.memory_space<vmem>>
    %dma_start3A_36 = arith.constant 0 : i32
    %dma_start3A_37 = tpu.memref_slice %arg12[%dma_start3A_32, %dma_start3A_36] : memref<4x128xi32, #tpu.memory_space<vmem>> -> memref<1x128xi32, #tpu.memory_space<vmem>>
    %dma_start3A_38 = tpu.memref_squeeze %dma_start3A_37 : memref<1x128xi32, #tpu.memory_space<vmem>> -> memref<128xi32, #tpu.memory_space<vmem>>
    %dma_start3A_39 = arith.constant 0 : i32
    %dma_start3A_40 = arith.constant 0 : i32
    %dma_start3A_41 = tpu.memref_slice %arg2[%dma_start3A_39, %dma_start3A_40] : memref<100000x128xf32, #tpu.memory_space<hbm>> -> memref<100000x128xf32, #tpu.memory_space<hbm>>
    tpu.enqueue_indirect_dma source(%dma_start3A_41 : memref<100000x128xf32, #tpu.memory_space<hbm>>) target(%dma_start3A_35 : memref<128x128xf32, #tpu.memory_space<vmem>>) offsets(%dma_start3A_38 : memref<128xi32, #tpu.memory_space<vmem>>) semaphore(%arg15 : memref<!tpu.dma_semaphore, #tpu.memory_space<semaphore_mem>>)
    %dma_wait3A = arith.constant 0 : i32
    %dma_wait3A_42 = arith.constant 0 : i32
    %dma_wait3A_43 = arith.constant 0 : i32
    %dma_wait3A_44 = tpu.memref_slice %arg14[%dma_wait3A_42, %dma_wait3A_43] : memref<512x128xf32, #tpu.memory_space<vmem>> -> memref<128x128xf32, #tpu.memory_space<vmem>>
    %dma_wait3A_45 = arith.constant 0 : i32
    %dma_wait3A_46 = tpu.memref_slice %arg12[%dma_wait3A, %dma_wait3A_45] : memref<4x128xi32, #tpu.memory_space<vmem>> -> memref<1x128xi32, #tpu.memory_space<vmem>>
    %dma_wait3A_47 = tpu.memref_squeeze %dma_wait3A_46 : memref<1x128xi32, #tpu.memory_space<vmem>> -> memref<128xi32, #tpu.memory_space<vmem>>
    %dma_wait3A_48 = arith.constant 0 : i32
    %dma_wait3A_49 = arith.constant 0 : i32
    %dma_wait3A_50 = tpu.memref_slice %arg2[%dma_wait3A_48, %dma_wait3A_49] : memref<100000x128xf32, #tpu.memory_space<hbm>> -> memref<100000x128xf32, #tpu.memory_space<hbm>>
    tpu.wait_indirect_dma semaphore(%arg15 : memref<!tpu.dma_semaphore, #tpu.memory_space<semaphore_mem>>) src(%dma_wait3A_50 : memref<100000x128xf32, #tpu.memory_space<hbm>>) dst(%dma_wait3A_44 : memref<128x128xf32, #tpu.memory_space<vmem>>)
    %dma_wait3A_51 = arith.constant 1 : i32
    %dma_wait3A_52 = arith.constant 128 : i32
    %dma_wait3A_53 = arith.constant 0 : i32
    %dma_wait3A_54 = tpu.memref_slice %arg14[%dma_wait3A_52, %dma_wait3A_53] : memref<512x128xf32, #tpu.memory_space<vmem>> -> memref<128x128xf32, #tpu.memory_space<vmem>>
    %dma_wait3A_55 = arith.constant 0 : i32
    %dma_wait3A_56 = tpu.memref_slice %arg12[%dma_wait3A_51, %dma_wait3A_55] : memref<4x128xi32, #tpu.memory_space<vmem>> -> memref<1x128xi32, #tpu.memory_space<vmem>>
    %dma_wait3A_57 = tpu.memref_squeeze %dma_wait3A_56 : memref<1x128xi32, #tpu.memory_space<vmem>> -> memref<128xi32, #tpu.memory_space<vmem>>
    %dma_wait3A_58 = arith.constant 0 : i32
    %dma_wait3A_59 = arith.constant 0 : i32
    %dma_wait3A_60 = tpu.memref_slice %arg2[%dma_wait3A_58, %dma_wait3A_59] : memref<100000x128xf32, #tpu.memory_space<hbm>> -> memref<100000x128xf32, #tpu.memory_space<hbm>>
    tpu.wait_indirect_dma semaphore(%arg15 : memref<!tpu.dma_semaphore, #tpu.memory_space<semaphore_mem>>) src(%dma_wait3A_60 : memref<100000x128xf32, #tpu.memory_space<hbm>>) dst(%dma_wait3A_54 : memref<128x128xf32, #tpu.memory_space<vmem>>)
    %dma_wait3A_61 = arith.constant 2 : i32
    %dma_wait3A_62 = arith.constant 256 : i32
    %dma_wait3A_63 = arith.constant 0 : i32
    %dma_wait3A_64 = tpu.memref_slice %arg14[%dma_wait3A_62, %dma_wait3A_63] : memref<512x128xf32, #tpu.memory_space<vmem>> -> memref<128x128xf32, #tpu.memory_space<vmem>>
    %dma_wait3A_65 = arith.constant 0 : i32
    %dma_wait3A_66 = tpu.memref_slice %arg12[%dma_wait3A_61, %dma_wait3A_65] : memref<4x128xi32, #tpu.memory_space<vmem>> -> memref<1x128xi32, #tpu.memory_space<vmem>>
    %dma_wait3A_67 = tpu.memref_squeeze %dma_wait3A_66 : memref<1x128xi32, #tpu.memory_space<vmem>> -> memref<128xi32, #tpu.memory_space<vmem>>
    %dma_wait3A_68 = arith.constant 0 : i32
    %dma_wait3A_69 = arith.constant 0 : i32
    %dma_wait3A_70 = tpu.memref_slice %arg2[%dma_wait3A_68, %dma_wait3A_69] : memref<100000x128xf32, #tpu.memory_space<hbm>> -> memref<100000x128xf32, #tpu.memory_space<hbm>>
    tpu.wait_indirect_dma semaphore(%arg15 : memref<!tpu.dma_semaphore, #tpu.memory_space<semaphore_mem>>) src(%dma_wait3A_70 : memref<100000x128xf32, #tpu.memory_space<hbm>>) dst(%dma_wait3A_64 : memref<128x128xf32, #tpu.memory_space<vmem>>)
    %dma_wait3A_71 = arith.constant 3 : i32
    %dma_wait3A_72 = arith.constant 384 : i32
    %dma_wait3A_73 = arith.constant 0 : i32
    %dma_wait3A_74 = tpu.memref_slice %arg14[%dma_wait3A_72, %dma_wait3A_73] : memref<512x128xf32, #tpu.memory_space<vmem>> -> memref<128x128xf32, #tpu.memory_space<vmem>>
    %dma_wait3A_75 = arith.constant 0 : i32
    %dma_wait3A_76 = tpu.memref_slice %arg12[%dma_wait3A_71, %dma_wait3A_75] : memref<4x128xi32, #tpu.memory_space<vmem>> -> memref<1x128xi32, #tpu.memory_space<vmem>>
    %dma_wait3A_77 = tpu.memref_squeeze %dma_wait3A_76 : memref<1x128xi32, #tpu.memory_space<vmem>> -> memref<128xi32, #tpu.memory_space<vmem>>
    %dma_wait3A_78 = arith.constant 0 : i32
    %dma_wait3A_79 = arith.constant 0 : i32
    %dma_wait3A_80 = tpu.memref_slice %arg2[%dma_wait3A_78, %dma_wait3A_79] : memref<100000x128xf32, #tpu.memory_space<hbm>> -> memref<100000x128xf32, #tpu.memory_space<hbm>>
    tpu.wait_indirect_dma semaphore(%arg15 : memref<!tpu.dma_semaphore, #tpu.memory_space<semaphore_mem>>) src(%dma_wait3A_80 : memref<100000x128xf32, #tpu.memory_space<hbm>>) dst(%dma_wait3A_74 : memref<128x128xf32, #tpu.memory_space<vmem>>)
    "tpu.region"() ({
      %run_scoped3A = tpu.sem_alloc : memref<!tpu.dma_semaphore, #tpu.memory_space<semaphore_mem>>
      %dma_start3A_321 = arith.constant 0 : i32
      %dma_start3A_322 = tpu.memref_slice %arg8[%mul3A_2, %dma_start3A_321] : memref<16384x128xf32, #tpu.memory_space<hbm>> -> memref<512x128xf32, #tpu.memory_space<hbm>>
      %dma_start3A_323 = arith.constant 0 : i32
      %dma_start3A_324 = tpu.memref_slice %arg8[%mul3A_2, %dma_start3A_323] : memref<16384x128xf32, #tpu.memory_space<hbm>> -> memref<512x128xf32, #tpu.memory_space<hbm>>
      tpu.enqueue_dma source(%arg14 : memref<512x128xf32, #tpu.memory_space<vmem>>) target(%dma_start3A_324 : memref<512x128xf32, #tpu.memory_space<hbm>>) target_semaphore(%run_scoped3A : memref<!tpu.dma_semaphore, #tpu.memory_space<semaphore_mem>>)
      %dma_wait3A_325 = arith.constant 0 : i32
      %dma_wait3A_326 = tpu.memref_slice %arg8[%mul3A_2, %dma_wait3A_325] : memref<16384x128xf32, #tpu.memory_space<hbm>> -> memref<512x128xf32, #tpu.memory_space<hbm>>
      %dma_wait3A_327 = arith.constant 0 : i32
      %dma_wait3A_328 = tpu.memref_slice %arg8[%mul3A_2, %dma_wait3A_327] : memref<16384x128xf32, #tpu.memory_space<hbm>> -> memref<512x128xf32, #tpu.memory_space<hbm>>
      tpu.wait_dma2 semaphore(%run_scoped3A : memref<!tpu.dma_semaphore, #tpu.memory_space<semaphore_mem>>) src(%arg14 : memref<512x128xf32, #tpu.memory_space<vmem>>) dst(%dma_wait3A_328 : memref<512x128xf32, #tpu.memory_space<hbm>>)
      tpu.yield
    }) : () -> ()
    %dma_start3A_81 = arith.constant 0 : i32
    %dma_start3A_82 = arith.constant 0 : i32
    %dma_start3A_83 = arith.constant 0 : i32
    %dma_start3A_84 = tpu.memref_slice %arg14[%dma_start3A_82, %dma_start3A_83] : memref<512x128xf32, #tpu.memory_space<vmem>> -> memref<128x128xf32, #tpu.memory_space<vmem>>
    %dma_start3A_85 = arith.constant 0 : i32
    %dma_start3A_86 = tpu.memref_slice %arg13[%dma_start3A_81, %dma_start3A_85] : memref<4x128xi32, #tpu.memory_space<vmem>> -> memref<1x128xi32, #tpu.memory_space<vmem>>
    %dma_start3A_87 = tpu.memref_squeeze %dma_start3A_86 : memref<1x128xi32, #tpu.memory_space<vmem>> -> memref<128xi32, #tpu.memory_space<vmem>>
    %dma_start3A_88 = arith.constant 0 : i32
    %dma_start3A_89 = arith.constant 0 : i32
    %dma_start3A_90 = tpu.memref_slice %arg3[%dma_start3A_88, %dma_start3A_89] : memref<100000x128xf32, #tpu.memory_space<hbm>> -> memref<100000x128xf32, #tpu.memory_space<hbm>>
    tpu.enqueue_indirect_dma source(%dma_start3A_90 : memref<100000x128xf32, #tpu.memory_space<hbm>>) target(%dma_start3A_84 : memref<128x128xf32, #tpu.memory_space<vmem>>) offsets(%dma_start3A_87 : memref<128xi32, #tpu.memory_space<vmem>>) semaphore(%arg15 : memref<!tpu.dma_semaphore, #tpu.memory_space<semaphore_mem>>)
    %dma_start3A_91 = arith.constant 1 : i32
    %dma_start3A_92 = arith.constant 128 : i32
    %dma_start3A_93 = arith.constant 0 : i32
    %dma_start3A_94 = tpu.memref_slice %arg14[%dma_start3A_92, %dma_start3A_93] : memref<512x128xf32, #tpu.memory_space<vmem>> -> memref<128x128xf32, #tpu.memory_space<vmem>>
    %dma_start3A_95 = arith.constant 0 : i32
    %dma_start3A_96 = tpu.memref_slice %arg13[%dma_start3A_91, %dma_start3A_95] : memref<4x128xi32, #tpu.memory_space<vmem>> -> memref<1x128xi32, #tpu.memory_space<vmem>>
    %dma_start3A_97 = tpu.memref_squeeze %dma_start3A_96 : memref<1x128xi32, #tpu.memory_space<vmem>> -> memref<128xi32, #tpu.memory_space<vmem>>
    %dma_start3A_98 = arith.constant 0 : i32
    %dma_start3A_99 = arith.constant 0 : i32
    %dma_start3A_100 = tpu.memref_slice %arg3[%dma_start3A_98, %dma_start3A_99] : memref<100000x128xf32, #tpu.memory_space<hbm>> -> memref<100000x128xf32, #tpu.memory_space<hbm>>
    tpu.enqueue_indirect_dma source(%dma_start3A_100 : memref<100000x128xf32, #tpu.memory_space<hbm>>) target(%dma_start3A_94 : memref<128x128xf32, #tpu.memory_space<vmem>>) offsets(%dma_start3A_97 : memref<128xi32, #tpu.memory_space<vmem>>) semaphore(%arg15 : memref<!tpu.dma_semaphore, #tpu.memory_space<semaphore_mem>>)
    %dma_start3A_101 = arith.constant 2 : i32
    %dma_start3A_102 = arith.constant 256 : i32
    %dma_start3A_103 = arith.constant 0 : i32
    %dma_start3A_104 = tpu.memref_slice %arg14[%dma_start3A_102, %dma_start3A_103] : memref<512x128xf32, #tpu.memory_space<vmem>> -> memref<128x128xf32, #tpu.memory_space<vmem>>
    %dma_start3A_105 = arith.constant 0 : i32
    %dma_start3A_106 = tpu.memref_slice %arg13[%dma_start3A_101, %dma_start3A_105] : memref<4x128xi32, #tpu.memory_space<vmem>> -> memref<1x128xi32, #tpu.memory_space<vmem>>
    %dma_start3A_107 = tpu.memref_squeeze %dma_start3A_106 : memref<1x128xi32, #tpu.memory_space<vmem>> -> memref<128xi32, #tpu.memory_space<vmem>>
    %dma_start3A_108 = arith.constant 0 : i32
    %dma_start3A_109 = arith.constant 0 : i32
    %dma_start3A_110 = tpu.memref_slice %arg3[%dma_start3A_108, %dma_start3A_109] : memref<100000x128xf32, #tpu.memory_space<hbm>> -> memref<100000x128xf32, #tpu.memory_space<hbm>>
    tpu.enqueue_indirect_dma source(%dma_start3A_110 : memref<100000x128xf32, #tpu.memory_space<hbm>>) target(%dma_start3A_104 : memref<128x128xf32, #tpu.memory_space<vmem>>) offsets(%dma_start3A_107 : memref<128xi32, #tpu.memory_space<vmem>>) semaphore(%arg15 : memref<!tpu.dma_semaphore, #tpu.memory_space<semaphore_mem>>)
    %dma_start3A_111 = arith.constant 3 : i32
    %dma_start3A_112 = arith.constant 384 : i32
    %dma_start3A_113 = arith.constant 0 : i32
    %dma_start3A_114 = tpu.memref_slice %arg14[%dma_start3A_112, %dma_start3A_113] : memref<512x128xf32, #tpu.memory_space<vmem>> -> memref<128x128xf32, #tpu.memory_space<vmem>>
    %dma_start3A_115 = arith.constant 0 : i32
    %dma_start3A_116 = tpu.memref_slice %arg13[%dma_start3A_111, %dma_start3A_115] : memref<4x128xi32, #tpu.memory_space<vmem>> -> memref<1x128xi32, #tpu.memory_space<vmem>>
    %dma_start3A_117 = tpu.memref_squeeze %dma_start3A_116 : memref<1x128xi32, #tpu.memory_space<vmem>> -> memref<128xi32, #tpu.memory_space<vmem>>
    %dma_start3A_118 = arith.constant 0 : i32
    %dma_start3A_119 = arith.constant 0 : i32
    %dma_start3A_120 = tpu.memref_slice %arg3[%dma_start3A_118, %dma_start3A_119] : memref<100000x128xf32, #tpu.memory_space<hbm>> -> memref<100000x128xf32, #tpu.memory_space<hbm>>
    tpu.enqueue_indirect_dma source(%dma_start3A_120 : memref<100000x128xf32, #tpu.memory_space<hbm>>) target(%dma_start3A_114 : memref<128x128xf32, #tpu.memory_space<vmem>>) offsets(%dma_start3A_117 : memref<128xi32, #tpu.memory_space<vmem>>) semaphore(%arg15 : memref<!tpu.dma_semaphore, #tpu.memory_space<semaphore_mem>>)
    %dma_wait3A_121 = arith.constant 0 : i32
    %dma_wait3A_122 = arith.constant 0 : i32
    %dma_wait3A_123 = arith.constant 0 : i32
    %dma_wait3A_124 = tpu.memref_slice %arg14[%dma_wait3A_122, %dma_wait3A_123] : memref<512x128xf32, #tpu.memory_space<vmem>> -> memref<128x128xf32, #tpu.memory_space<vmem>>
    %dma_wait3A_125 = arith.constant 0 : i32
    %dma_wait3A_126 = tpu.memref_slice %arg13[%dma_wait3A_121, %dma_wait3A_125] : memref<4x128xi32, #tpu.memory_space<vmem>> -> memref<1x128xi32, #tpu.memory_space<vmem>>
    %dma_wait3A_127 = tpu.memref_squeeze %dma_wait3A_126 : memref<1x128xi32, #tpu.memory_space<vmem>> -> memref<128xi32, #tpu.memory_space<vmem>>
    %dma_wait3A_128 = arith.constant 0 : i32
    %dma_wait3A_129 = arith.constant 0 : i32
    %dma_wait3A_130 = tpu.memref_slice %arg3[%dma_wait3A_128, %dma_wait3A_129] : memref<100000x128xf32, #tpu.memory_space<hbm>> -> memref<100000x128xf32, #tpu.memory_space<hbm>>
    tpu.wait_indirect_dma semaphore(%arg15 : memref<!tpu.dma_semaphore, #tpu.memory_space<semaphore_mem>>) src(%dma_wait3A_130 : memref<100000x128xf32, #tpu.memory_space<hbm>>) dst(%dma_wait3A_124 : memref<128x128xf32, #tpu.memory_space<vmem>>)
    %dma_wait3A_131 = arith.constant 1 : i32
    %dma_wait3A_132 = arith.constant 128 : i32
    %dma_wait3A_133 = arith.constant 0 : i32
    %dma_wait3A_134 = tpu.memref_slice %arg14[%dma_wait3A_132, %dma_wait3A_133] : memref<512x128xf32, #tpu.memory_space<vmem>> -> memref<128x128xf32, #tpu.memory_space<vmem>>
    %dma_wait3A_135 = arith.constant 0 : i32
    %dma_wait3A_136 = tpu.memref_slice %arg13[%dma_wait3A_131, %dma_wait3A_135] : memref<4x128xi32, #tpu.memory_space<vmem>> -> memref<1x128xi32, #tpu.memory_space<vmem>>
    %dma_wait3A_137 = tpu.memref_squeeze %dma_wait3A_136 : memref<1x128xi32, #tpu.memory_space<vmem>> -> memref<128xi32, #tpu.memory_space<vmem>>
    %dma_wait3A_138 = arith.constant 0 : i32
    %dma_wait3A_139 = arith.constant 0 : i32
    %dma_wait3A_140 = tpu.memref_slice %arg3[%dma_wait3A_138, %dma_wait3A_139] : memref<100000x128xf32, #tpu.memory_space<hbm>> -> memref<100000x128xf32, #tpu.memory_space<hbm>>
    tpu.wait_indirect_dma semaphore(%arg15 : memref<!tpu.dma_semaphore, #tpu.memory_space<semaphore_mem>>) src(%dma_wait3A_140 : memref<100000x128xf32, #tpu.memory_space<hbm>>) dst(%dma_wait3A_134 : memref<128x128xf32, #tpu.memory_space<vmem>>)
    %dma_wait3A_141 = arith.constant 2 : i32
    %dma_wait3A_142 = arith.constant 256 : i32
    %dma_wait3A_143 = arith.constant 0 : i32
    %dma_wait3A_144 = tpu.memref_slice %arg14[%dma_wait3A_142, %dma_wait3A_143] : memref<512x128xf32, #tpu.memory_space<vmem>> -> memref<128x128xf32, #tpu.memory_space<vmem>>
    %dma_wait3A_145 = arith.constant 0 : i32
    %dma_wait3A_146 = tpu.memref_slice %arg13[%dma_wait3A_141, %dma_wait3A_145] : memref<4x128xi32, #tpu.memory_space<vmem>> -> memref<1x128xi32, #tpu.memory_space<vmem>>
    %dma_wait3A_147 = tpu.memref_squeeze %dma_wait3A_146 : memref<1x128xi32, #tpu.memory_space<vmem>> -> memref<128xi32, #tpu.memory_space<vmem>>
    %dma_wait3A_148 = arith.constant 0 : i32
    %dma_wait3A_149 = arith.constant 0 : i32
    %dma_wait3A_150 = tpu.memref_slice %arg3[%dma_wait3A_148, %dma_wait3A_149] : memref<100000x128xf32, #tpu.memory_space<hbm>> -> memref<100000x128xf32, #tpu.memory_space<hbm>>
    tpu.wait_indirect_dma semaphore(%arg15 : memref<!tpu.dma_semaphore, #tpu.memory_space<semaphore_mem>>) src(%dma_wait3A_150 : memref<100000x128xf32, #tpu.memory_space<hbm>>) dst(%dma_wait3A_144 : memref<128x128xf32, #tpu.memory_space<vmem>>)
    %dma_wait3A_151 = arith.constant 3 : i32
    %dma_wait3A_152 = arith.constant 384 : i32
    %dma_wait3A_153 = arith.constant 0 : i32
    %dma_wait3A_154 = tpu.memref_slice %arg14[%dma_wait3A_152, %dma_wait3A_153] : memref<512x128xf32, #tpu.memory_space<vmem>> -> memref<128x128xf32, #tpu.memory_space<vmem>>
    %dma_wait3A_155 = arith.constant 0 : i32
    %dma_wait3A_156 = tpu.memref_slice %arg13[%dma_wait3A_151, %dma_wait3A_155] : memref<4x128xi32, #tpu.memory_space<vmem>> -> memref<1x128xi32, #tpu.memory_space<vmem>>
    %dma_wait3A_157 = tpu.memref_squeeze %dma_wait3A_156 : memref<1x128xi32, #tpu.memory_space<vmem>> -> memref<128xi32, #tpu.memory_space<vmem>>
    %dma_wait3A_158 = arith.constant 0 : i32
    %dma_wait3A_159 = arith.constant 0 : i32
    %dma_wait3A_160 = tpu.memref_slice %arg3[%dma_wait3A_158, %dma_wait3A_159] : memref<100000x128xf32, #tpu.memory_space<hbm>> -> memref<100000x128xf32, #tpu.memory_space<hbm>>
    tpu.wait_indirect_dma semaphore(%arg15 : memref<!tpu.dma_semaphore, #tpu.memory_space<semaphore_mem>>) src(%dma_wait3A_160 : memref<100000x128xf32, #tpu.memory_space<hbm>>) dst(%dma_wait3A_154 : memref<128x128xf32, #tpu.memory_space<vmem>>)
    "tpu.region"() ({
      %run_scoped3A = tpu.sem_alloc : memref<!tpu.dma_semaphore, #tpu.memory_space<semaphore_mem>>
      %dma_start3A_321 = arith.constant 0 : i32
      %dma_start3A_322 = tpu.memref_slice %arg9[%mul3A_2, %dma_start3A_321] : memref<16384x128xf32, #tpu.memory_space<hbm>> -> memref<512x128xf32, #tpu.memory_space<hbm>>
      %dma_start3A_323 = arith.constant 0 : i32
      %dma_start3A_324 = tpu.memref_slice %arg9[%mul3A_2, %dma_start3A_323] : memref<16384x128xf32, #tpu.memory_space<hbm>> -> memref<512x128xf32, #tpu.memory_space<hbm>>
      tpu.enqueue_dma source(%arg14 : memref<512x128xf32, #tpu.memory_space<vmem>>) target(%dma_start3A_324 : memref<512x128xf32, #tpu.memory_space<hbm>>) target_semaphore(%run_scoped3A : memref<!tpu.dma_semaphore, #tpu.memory_space<semaphore_mem>>)
      %dma_wait3A_325 = arith.constant 0 : i32
      %dma_wait3A_326 = tpu.memref_slice %arg9[%mul3A_2, %dma_wait3A_325] : memref<16384x128xf32, #tpu.memory_space<hbm>> -> memref<512x128xf32, #tpu.memory_space<hbm>>
      %dma_wait3A_327 = arith.constant 0 : i32
      %dma_wait3A_328 = tpu.memref_slice %arg9[%mul3A_2, %dma_wait3A_327] : memref<16384x128xf32, #tpu.memory_space<hbm>> -> memref<512x128xf32, #tpu.memory_space<hbm>>
      tpu.wait_dma2 semaphore(%run_scoped3A : memref<!tpu.dma_semaphore, #tpu.memory_space<semaphore_mem>>) src(%arg14 : memref<512x128xf32, #tpu.memory_space<vmem>>) dst(%dma_wait3A_328 : memref<512x128xf32, #tpu.memory_space<hbm>>)
      tpu.yield
    }) : () -> ()
    %dma_start3A_161 = arith.constant 0 : i32
    %dma_start3A_162 = arith.constant 0 : i32
    %dma_start3A_163 = arith.constant 0 : i32
    %dma_start3A_164 = tpu.memref_slice %arg14[%dma_start3A_162, %dma_start3A_163] : memref<512x128xf32, #tpu.memory_space<vmem>> -> memref<128x128xf32, #tpu.memory_space<vmem>>
    %dma_start3A_165 = arith.constant 0 : i32
    %dma_start3A_166 = tpu.memref_slice %arg12[%dma_start3A_161, %dma_start3A_165] : memref<4x128xi32, #tpu.memory_space<vmem>> -> memref<1x128xi32, #tpu.memory_space<vmem>>
    %dma_start3A_167 = tpu.memref_squeeze %dma_start3A_166 : memref<1x128xi32, #tpu.memory_space<vmem>> -> memref<128xi32, #tpu.memory_space<vmem>>
    %dma_start3A_168 = arith.constant 0 : i32
    %dma_start3A_169 = arith.constant 0 : i32
    %dma_start3A_170 = tpu.memref_slice %arg4[%dma_start3A_168, %dma_start3A_169] : memref<100000x128xf32, #tpu.memory_space<hbm>> -> memref<100000x128xf32, #tpu.memory_space<hbm>>
    tpu.enqueue_indirect_dma source(%dma_start3A_170 : memref<100000x128xf32, #tpu.memory_space<hbm>>) target(%dma_start3A_164 : memref<128x128xf32, #tpu.memory_space<vmem>>) offsets(%dma_start3A_167 : memref<128xi32, #tpu.memory_space<vmem>>) semaphore(%arg15 : memref<!tpu.dma_semaphore, #tpu.memory_space<semaphore_mem>>)
    %dma_start3A_171 = arith.constant 1 : i32
    %dma_start3A_172 = arith.constant 128 : i32
    %dma_start3A_173 = arith.constant 0 : i32
    %dma_start3A_174 = tpu.memref_slice %arg14[%dma_start3A_172, %dma_start3A_173] : memref<512x128xf32, #tpu.memory_space<vmem>> -> memref<128x128xf32, #tpu.memory_space<vmem>>
    %dma_start3A_175 = arith.constant 0 : i32
    %dma_start3A_176 = tpu.memref_slice %arg12[%dma_start3A_171, %dma_start3A_175] : memref<4x128xi32, #tpu.memory_space<vmem>> -> memref<1x128xi32, #tpu.memory_space<vmem>>
    %dma_start3A_177 = tpu.memref_squeeze %dma_start3A_176 : memref<1x128xi32, #tpu.memory_space<vmem>> -> memref<128xi32, #tpu.memory_space<vmem>>
    %dma_start3A_178 = arith.constant 0 : i32
    %dma_start3A_179 = arith.constant 0 : i32
    %dma_start3A_180 = tpu.memref_slice %arg4[%dma_start3A_178, %dma_start3A_179] : memref<100000x128xf32, #tpu.memory_space<hbm>> -> memref<100000x128xf32, #tpu.memory_space<hbm>>
    tpu.enqueue_indirect_dma source(%dma_start3A_180 : memref<100000x128xf32, #tpu.memory_space<hbm>>) target(%dma_start3A_174 : memref<128x128xf32, #tpu.memory_space<vmem>>) offsets(%dma_start3A_177 : memref<128xi32, #tpu.memory_space<vmem>>) semaphore(%arg15 : memref<!tpu.dma_semaphore, #tpu.memory_space<semaphore_mem>>)
    %dma_start3A_181 = arith.constant 2 : i32
    %dma_start3A_182 = arith.constant 256 : i32
    %dma_start3A_183 = arith.constant 0 : i32
    %dma_start3A_184 = tpu.memref_slice %arg14[%dma_start3A_182, %dma_start3A_183] : memref<512x128xf32, #tpu.memory_space<vmem>> -> memref<128x128xf32, #tpu.memory_space<vmem>>
    %dma_start3A_185 = arith.constant 0 : i32
    %dma_start3A_186 = tpu.memref_slice %arg12[%dma_start3A_181, %dma_start3A_185] : memref<4x128xi32, #tpu.memory_space<vmem>> -> memref<1x128xi32, #tpu.memory_space<vmem>>
    %dma_start3A_187 = tpu.memref_squeeze %dma_start3A_186 : memref<1x128xi32, #tpu.memory_space<vmem>> -> memref<128xi32, #tpu.memory_space<vmem>>
    %dma_start3A_188 = arith.constant 0 : i32
    %dma_start3A_189 = arith.constant 0 : i32
    %dma_start3A_190 = tpu.memref_slice %arg4[%dma_start3A_188, %dma_start3A_189] : memref<100000x128xf32, #tpu.memory_space<hbm>> -> memref<100000x128xf32, #tpu.memory_space<hbm>>
    tpu.enqueue_indirect_dma source(%dma_start3A_190 : memref<100000x128xf32, #tpu.memory_space<hbm>>) target(%dma_start3A_184 : memref<128x128xf32, #tpu.memory_space<vmem>>) offsets(%dma_start3A_187 : memref<128xi32, #tpu.memory_space<vmem>>) semaphore(%arg15 : memref<!tpu.dma_semaphore, #tpu.memory_space<semaphore_mem>>)
    %dma_start3A_191 = arith.constant 3 : i32
    %dma_start3A_192 = arith.constant 384 : i32
    %dma_start3A_193 = arith.constant 0 : i32
    %dma_start3A_194 = tpu.memref_slice %arg14[%dma_start3A_192, %dma_start3A_193] : memref<512x128xf32, #tpu.memory_space<vmem>> -> memref<128x128xf32, #tpu.memory_space<vmem>>
    %dma_start3A_195 = arith.constant 0 : i32
    %dma_start3A_196 = tpu.memref_slice %arg12[%dma_start3A_191, %dma_start3A_195] : memref<4x128xi32, #tpu.memory_space<vmem>> -> memref<1x128xi32, #tpu.memory_space<vmem>>
    %dma_start3A_197 = tpu.memref_squeeze %dma_start3A_196 : memref<1x128xi32, #tpu.memory_space<vmem>> -> memref<128xi32, #tpu.memory_space<vmem>>
    %dma_start3A_198 = arith.constant 0 : i32
    %dma_start3A_199 = arith.constant 0 : i32
    %dma_start3A_200 = tpu.memref_slice %arg4[%dma_start3A_198, %dma_start3A_199] : memref<100000x128xf32, #tpu.memory_space<hbm>> -> memref<100000x128xf32, #tpu.memory_space<hbm>>
    tpu.enqueue_indirect_dma source(%dma_start3A_200 : memref<100000x128xf32, #tpu.memory_space<hbm>>) target(%dma_start3A_194 : memref<128x128xf32, #tpu.memory_space<vmem>>) offsets(%dma_start3A_197 : memref<128xi32, #tpu.memory_space<vmem>>) semaphore(%arg15 : memref<!tpu.dma_semaphore, #tpu.memory_space<semaphore_mem>>)
    %dma_wait3A_201 = arith.constant 0 : i32
    %dma_wait3A_202 = arith.constant 0 : i32
    %dma_wait3A_203 = arith.constant 0 : i32
    %dma_wait3A_204 = tpu.memref_slice %arg14[%dma_wait3A_202, %dma_wait3A_203] : memref<512x128xf32, #tpu.memory_space<vmem>> -> memref<128x128xf32, #tpu.memory_space<vmem>>
    %dma_wait3A_205 = arith.constant 0 : i32
    %dma_wait3A_206 = tpu.memref_slice %arg12[%dma_wait3A_201, %dma_wait3A_205] : memref<4x128xi32, #tpu.memory_space<vmem>> -> memref<1x128xi32, #tpu.memory_space<vmem>>
    %dma_wait3A_207 = tpu.memref_squeeze %dma_wait3A_206 : memref<1x128xi32, #tpu.memory_space<vmem>> -> memref<128xi32, #tpu.memory_space<vmem>>
    %dma_wait3A_208 = arith.constant 0 : i32
    %dma_wait3A_209 = arith.constant 0 : i32
    %dma_wait3A_210 = tpu.memref_slice %arg4[%dma_wait3A_208, %dma_wait3A_209] : memref<100000x128xf32, #tpu.memory_space<hbm>> -> memref<100000x128xf32, #tpu.memory_space<hbm>>
    tpu.wait_indirect_dma semaphore(%arg15 : memref<!tpu.dma_semaphore, #tpu.memory_space<semaphore_mem>>) src(%dma_wait3A_210 : memref<100000x128xf32, #tpu.memory_space<hbm>>) dst(%dma_wait3A_204 : memref<128x128xf32, #tpu.memory_space<vmem>>)
    %dma_wait3A_211 = arith.constant 1 : i32
    %dma_wait3A_212 = arith.constant 128 : i32
    %dma_wait3A_213 = arith.constant 0 : i32
    %dma_wait3A_214 = tpu.memref_slice %arg14[%dma_wait3A_212, %dma_wait3A_213] : memref<512x128xf32, #tpu.memory_space<vmem>> -> memref<128x128xf32, #tpu.memory_space<vmem>>
    %dma_wait3A_215 = arith.constant 0 : i32
    %dma_wait3A_216 = tpu.memref_slice %arg12[%dma_wait3A_211, %dma_wait3A_215] : memref<4x128xi32, #tpu.memory_space<vmem>> -> memref<1x128xi32, #tpu.memory_space<vmem>>
    %dma_wait3A_217 = tpu.memref_squeeze %dma_wait3A_216 : memref<1x128xi32, #tpu.memory_space<vmem>> -> memref<128xi32, #tpu.memory_space<vmem>>
    %dma_wait3A_218 = arith.constant 0 : i32
    %dma_wait3A_219 = arith.constant 0 : i32
    %dma_wait3A_220 = tpu.memref_slice %arg4[%dma_wait3A_218, %dma_wait3A_219] : memref<100000x128xf32, #tpu.memory_space<hbm>> -> memref<100000x128xf32, #tpu.memory_space<hbm>>
    tpu.wait_indirect_dma semaphore(%arg15 : memref<!tpu.dma_semaphore, #tpu.memory_space<semaphore_mem>>) src(%dma_wait3A_220 : memref<100000x128xf32, #tpu.memory_space<hbm>>) dst(%dma_wait3A_214 : memref<128x128xf32, #tpu.memory_space<vmem>>)
    %dma_wait3A_221 = arith.constant 2 : i32
    %dma_wait3A_222 = arith.constant 256 : i32
    %dma_wait3A_223 = arith.constant 0 : i32
    %dma_wait3A_224 = tpu.memref_slice %arg14[%dma_wait3A_222, %dma_wait3A_223] : memref<512x128xf32, #tpu.memory_space<vmem>> -> memref<128x128xf32, #tpu.memory_space<vmem>>
    %dma_wait3A_225 = arith.constant 0 : i32
    %dma_wait3A_226 = tpu.memref_slice %arg12[%dma_wait3A_221, %dma_wait3A_225] : memref<4x128xi32, #tpu.memory_space<vmem>> -> memref<1x128xi32, #tpu.memory_space<vmem>>
    %dma_wait3A_227 = tpu.memref_squeeze %dma_wait3A_226 : memref<1x128xi32, #tpu.memory_space<vmem>> -> memref<128xi32, #tpu.memory_space<vmem>>
    %dma_wait3A_228 = arith.constant 0 : i32
    %dma_wait3A_229 = arith.constant 0 : i32
    %dma_wait3A_230 = tpu.memref_slice %arg4[%dma_wait3A_228, %dma_wait3A_229] : memref<100000x128xf32, #tpu.memory_space<hbm>> -> memref<100000x128xf32, #tpu.memory_space<hbm>>
    tpu.wait_indirect_dma semaphore(%arg15 : memref<!tpu.dma_semaphore, #tpu.memory_space<semaphore_mem>>) src(%dma_wait3A_230 : memref<100000x128xf32, #tpu.memory_space<hbm>>) dst(%dma_wait3A_224 : memref<128x128xf32, #tpu.memory_space<vmem>>)
    %dma_wait3A_231 = arith.constant 3 : i32
    %dma_wait3A_232 = arith.constant 384 : i32
    %dma_wait3A_233 = arith.constant 0 : i32
    %dma_wait3A_234 = tpu.memref_slice %arg14[%dma_wait3A_232, %dma_wait3A_233] : memref<512x128xf32, #tpu.memory_space<vmem>> -> memref<128x128xf32, #tpu.memory_space<vmem>>
    %dma_wait3A_235 = arith.constant 0 : i32
    %dma_wait3A_236 = tpu.memref_slice %arg12[%dma_wait3A_231, %dma_wait3A_235] : memref<4x128xi32, #tpu.memory_space<vmem>> -> memref<1x128xi32, #tpu.memory_space<vmem>>
    %dma_wait3A_237 = tpu.memref_squeeze %dma_wait3A_236 : memref<1x128xi32, #tpu.memory_space<vmem>> -> memref<128xi32, #tpu.memory_space<vmem>>
    %dma_wait3A_238 = arith.constant 0 : i32
    %dma_wait3A_239 = arith.constant 0 : i32
    %dma_wait3A_240 = tpu.memref_slice %arg4[%dma_wait3A_238, %dma_wait3A_239] : memref<100000x128xf32, #tpu.memory_space<hbm>> -> memref<100000x128xf32, #tpu.memory_space<hbm>>
    tpu.wait_indirect_dma semaphore(%arg15 : memref<!tpu.dma_semaphore, #tpu.memory_space<semaphore_mem>>) src(%dma_wait3A_240 : memref<100000x128xf32, #tpu.memory_space<hbm>>) dst(%dma_wait3A_234 : memref<128x128xf32, #tpu.memory_space<vmem>>)
    "tpu.region"() ({
      %run_scoped3A = tpu.sem_alloc : memref<!tpu.dma_semaphore, #tpu.memory_space<semaphore_mem>>
      %dma_start3A_321 = arith.constant 0 : i32
      %dma_start3A_322 = tpu.memref_slice %arg10[%mul3A_2, %dma_start3A_321] : memref<16384x128xf32, #tpu.memory_space<hbm>> -> memref<512x128xf32, #tpu.memory_space<hbm>>
      %dma_start3A_323 = arith.constant 0 : i32
      %dma_start3A_324 = tpu.memref_slice %arg10[%mul3A_2, %dma_start3A_323] : memref<16384x128xf32, #tpu.memory_space<hbm>> -> memref<512x128xf32, #tpu.memory_space<hbm>>
      tpu.enqueue_dma source(%arg14 : memref<512x128xf32, #tpu.memory_space<vmem>>) target(%dma_start3A_324 : memref<512x128xf32, #tpu.memory_space<hbm>>) target_semaphore(%run_scoped3A : memref<!tpu.dma_semaphore, #tpu.memory_space<semaphore_mem>>)
      %dma_wait3A_325 = arith.constant 0 : i32
      %dma_wait3A_326 = tpu.memref_slice %arg10[%mul3A_2, %dma_wait3A_325] : memref<16384x128xf32, #tpu.memory_space<hbm>> -> memref<512x128xf32, #tpu.memory_space<hbm>>
      %dma_wait3A_327 = arith.constant 0 : i32
      %dma_wait3A_328 = tpu.memref_slice %arg10[%mul3A_2, %dma_wait3A_327] : memref<16384x128xf32, #tpu.memory_space<hbm>> -> memref<512x128xf32, #tpu.memory_space<hbm>>
      tpu.wait_dma2 semaphore(%run_scoped3A : memref<!tpu.dma_semaphore, #tpu.memory_space<semaphore_mem>>) src(%arg14 : memref<512x128xf32, #tpu.memory_space<vmem>>) dst(%dma_wait3A_328 : memref<512x128xf32, #tpu.memory_space<hbm>>)
      tpu.yield
    }) : () -> ()
    %dma_start3A_241 = arith.constant 0 : i32
    %dma_start3A_242 = arith.constant 0 : i32
    %dma_start3A_243 = arith.constant 0 : i32
    %dma_start3A_244 = tpu.memref_slice %arg14[%dma_start3A_242, %dma_start3A_243] : memref<512x128xf32, #tpu.memory_space<vmem>> -> memref<128x128xf32, #tpu.memory_space<vmem>>
    %dma_start3A_245 = arith.constant 0 : i32
    %dma_start3A_246 = tpu.memref_slice %arg13[%dma_start3A_241, %dma_start3A_245] : memref<4x128xi32, #tpu.memory_space<vmem>> -> memref<1x128xi32, #tpu.memory_space<vmem>>
    %dma_start3A_247 = tpu.memref_squeeze %dma_start3A_246 : memref<1x128xi32, #tpu.memory_space<vmem>> -> memref<128xi32, #tpu.memory_space<vmem>>
    %dma_start3A_248 = arith.constant 0 : i32
    %dma_start3A_249 = arith.constant 0 : i32
    %dma_start3A_250 = tpu.memref_slice %arg5[%dma_start3A_248, %dma_start3A_249] : memref<100000x128xf32, #tpu.memory_space<hbm>> -> memref<100000x128xf32, #tpu.memory_space<hbm>>
    tpu.enqueue_indirect_dma source(%dma_start3A_250 : memref<100000x128xf32, #tpu.memory_space<hbm>>) target(%dma_start3A_244 : memref<128x128xf32, #tpu.memory_space<vmem>>) offsets(%dma_start3A_247 : memref<128xi32, #tpu.memory_space<vmem>>) semaphore(%arg15 : memref<!tpu.dma_semaphore, #tpu.memory_space<semaphore_mem>>)
    %dma_start3A_251 = arith.constant 1 : i32
    %dma_start3A_252 = arith.constant 128 : i32
    %dma_start3A_253 = arith.constant 0 : i32
    %dma_start3A_254 = tpu.memref_slice %arg14[%dma_start3A_252, %dma_start3A_253] : memref<512x128xf32, #tpu.memory_space<vmem>> -> memref<128x128xf32, #tpu.memory_space<vmem>>
    %dma_start3A_255 = arith.constant 0 : i32
    %dma_start3A_256 = tpu.memref_slice %arg13[%dma_start3A_251, %dma_start3A_255] : memref<4x128xi32, #tpu.memory_space<vmem>> -> memref<1x128xi32, #tpu.memory_space<vmem>>
    %dma_start3A_257 = tpu.memref_squeeze %dma_start3A_256 : memref<1x128xi32, #tpu.memory_space<vmem>> -> memref<128xi32, #tpu.memory_space<vmem>>
    %dma_start3A_258 = arith.constant 0 : i32
    %dma_start3A_259 = arith.constant 0 : i32
    %dma_start3A_260 = tpu.memref_slice %arg5[%dma_start3A_258, %dma_start3A_259] : memref<100000x128xf32, #tpu.memory_space<hbm>> -> memref<100000x128xf32, #tpu.memory_space<hbm>>
    tpu.enqueue_indirect_dma source(%dma_start3A_260 : memref<100000x128xf32, #tpu.memory_space<hbm>>) target(%dma_start3A_254 : memref<128x128xf32, #tpu.memory_space<vmem>>) offsets(%dma_start3A_257 : memref<128xi32, #tpu.memory_space<vmem>>) semaphore(%arg15 : memref<!tpu.dma_semaphore, #tpu.memory_space<semaphore_mem>>)
    %dma_start3A_261 = arith.constant 2 : i32
    %dma_start3A_262 = arith.constant 256 : i32
    %dma_start3A_263 = arith.constant 0 : i32
    %dma_start3A_264 = tpu.memref_slice %arg14[%dma_start3A_262, %dma_start3A_263] : memref<512x128xf32, #tpu.memory_space<vmem>> -> memref<128x128xf32, #tpu.memory_space<vmem>>
    %dma_start3A_265 = arith.constant 0 : i32
    %dma_start3A_266 = tpu.memref_slice %arg13[%dma_start3A_261, %dma_start3A_265] : memref<4x128xi32, #tpu.memory_space<vmem>> -> memref<1x128xi32, #tpu.memory_space<vmem>>
    %dma_start3A_267 = tpu.memref_squeeze %dma_start3A_266 : memref<1x128xi32, #tpu.memory_space<vmem>> -> memref<128xi32, #tpu.memory_space<vmem>>
    %dma_start3A_268 = arith.constant 0 : i32
    %dma_start3A_269 = arith.constant 0 : i32
    %dma_start3A_270 = tpu.memref_slice %arg5[%dma_start3A_268, %dma_start3A_269] : memref<100000x128xf32, #tpu.memory_space<hbm>> -> memref<100000x128xf32, #tpu.memory_space<hbm>>
    tpu.enqueue_indirect_dma source(%dma_start3A_270 : memref<100000x128xf32, #tpu.memory_space<hbm>>) target(%dma_start3A_264 : memref<128x128xf32, #tpu.memory_space<vmem>>) offsets(%dma_start3A_267 : memref<128xi32, #tpu.memory_space<vmem>>) semaphore(%arg15 : memref<!tpu.dma_semaphore, #tpu.memory_space<semaphore_mem>>)
    %dma_start3A_271 = arith.constant 3 : i32
    %dma_start3A_272 = arith.constant 384 : i32
    %dma_start3A_273 = arith.constant 0 : i32
    %dma_start3A_274 = tpu.memref_slice %arg14[%dma_start3A_272, %dma_start3A_273] : memref<512x128xf32, #tpu.memory_space<vmem>> -> memref<128x128xf32, #tpu.memory_space<vmem>>
    %dma_start3A_275 = arith.constant 0 : i32
    %dma_start3A_276 = tpu.memref_slice %arg13[%dma_start3A_271, %dma_start3A_275] : memref<4x128xi32, #tpu.memory_space<vmem>> -> memref<1x128xi32, #tpu.memory_space<vmem>>
    %dma_start3A_277 = tpu.memref_squeeze %dma_start3A_276 : memref<1x128xi32, #tpu.memory_space<vmem>> -> memref<128xi32, #tpu.memory_space<vmem>>
    %dma_start3A_278 = arith.constant 0 : i32
    %dma_start3A_279 = arith.constant 0 : i32
    %dma_start3A_280 = tpu.memref_slice %arg5[%dma_start3A_278, %dma_start3A_279] : memref<100000x128xf32, #tpu.memory_space<hbm>> -> memref<100000x128xf32, #tpu.memory_space<hbm>>
    tpu.enqueue_indirect_dma source(%dma_start3A_280 : memref<100000x128xf32, #tpu.memory_space<hbm>>) target(%dma_start3A_274 : memref<128x128xf32, #tpu.memory_space<vmem>>) offsets(%dma_start3A_277 : memref<128xi32, #tpu.memory_space<vmem>>) semaphore(%arg15 : memref<!tpu.dma_semaphore, #tpu.memory_space<semaphore_mem>>)
    %dma_wait3A_281 = arith.constant 0 : i32
    %dma_wait3A_282 = arith.constant 0 : i32
    %dma_wait3A_283 = arith.constant 0 : i32
    %dma_wait3A_284 = tpu.memref_slice %arg14[%dma_wait3A_282, %dma_wait3A_283] : memref<512x128xf32, #tpu.memory_space<vmem>> -> memref<128x128xf32, #tpu.memory_space<vmem>>
    %dma_wait3A_285 = arith.constant 0 : i32
    %dma_wait3A_286 = tpu.memref_slice %arg13[%dma_wait3A_281, %dma_wait3A_285] : memref<4x128xi32, #tpu.memory_space<vmem>> -> memref<1x128xi32, #tpu.memory_space<vmem>>
    %dma_wait3A_287 = tpu.memref_squeeze %dma_wait3A_286 : memref<1x128xi32, #tpu.memory_space<vmem>> -> memref<128xi32, #tpu.memory_space<vmem>>
    %dma_wait3A_288 = arith.constant 0 : i32
    %dma_wait3A_289 = arith.constant 0 : i32
    %dma_wait3A_290 = tpu.memref_slice %arg5[%dma_wait3A_288, %dma_wait3A_289] : memref<100000x128xf32, #tpu.memory_space<hbm>> -> memref<100000x128xf32, #tpu.memory_space<hbm>>
    tpu.wait_indirect_dma semaphore(%arg15 : memref<!tpu.dma_semaphore, #tpu.memory_space<semaphore_mem>>) src(%dma_wait3A_290 : memref<100000x128xf32, #tpu.memory_space<hbm>>) dst(%dma_wait3A_284 : memref<128x128xf32, #tpu.memory_space<vmem>>)
    %dma_wait3A_291 = arith.constant 1 : i32
    %dma_wait3A_292 = arith.constant 128 : i32
    %dma_wait3A_293 = arith.constant 0 : i32
    %dma_wait3A_294 = tpu.memref_slice %arg14[%dma_wait3A_292, %dma_wait3A_293] : memref<512x128xf32, #tpu.memory_space<vmem>> -> memref<128x128xf32, #tpu.memory_space<vmem>>
    %dma_wait3A_295 = arith.constant 0 : i32
    %dma_wait3A_296 = tpu.memref_slice %arg13[%dma_wait3A_291, %dma_wait3A_295] : memref<4x128xi32, #tpu.memory_space<vmem>> -> memref<1x128xi32, #tpu.memory_space<vmem>>
    %dma_wait3A_297 = tpu.memref_squeeze %dma_wait3A_296 : memref<1x128xi32, #tpu.memory_space<vmem>> -> memref<128xi32, #tpu.memory_space<vmem>>
    %dma_wait3A_298 = arith.constant 0 : i32
    %dma_wait3A_299 = arith.constant 0 : i32
    %dma_wait3A_300 = tpu.memref_slice %arg5[%dma_wait3A_298, %dma_wait3A_299] : memref<100000x128xf32, #tpu.memory_space<hbm>> -> memref<100000x128xf32, #tpu.memory_space<hbm>>
    tpu.wait_indirect_dma semaphore(%arg15 : memref<!tpu.dma_semaphore, #tpu.memory_space<semaphore_mem>>) src(%dma_wait3A_300 : memref<100000x128xf32, #tpu.memory_space<hbm>>) dst(%dma_wait3A_294 : memref<128x128xf32, #tpu.memory_space<vmem>>)
    %dma_wait3A_301 = arith.constant 2 : i32
    %dma_wait3A_302 = arith.constant 256 : i32
    %dma_wait3A_303 = arith.constant 0 : i32
    %dma_wait3A_304 = tpu.memref_slice %arg14[%dma_wait3A_302, %dma_wait3A_303] : memref<512x128xf32, #tpu.memory_space<vmem>> -> memref<128x128xf32, #tpu.memory_space<vmem>>
    %dma_wait3A_305 = arith.constant 0 : i32
    %dma_wait3A_306 = tpu.memref_slice %arg13[%dma_wait3A_301, %dma_wait3A_305] : memref<4x128xi32, #tpu.memory_space<vmem>> -> memref<1x128xi32, #tpu.memory_space<vmem>>
    %dma_wait3A_307 = tpu.memref_squeeze %dma_wait3A_306 : memref<1x128xi32, #tpu.memory_space<vmem>> -> memref<128xi32, #tpu.memory_space<vmem>>
    %dma_wait3A_308 = arith.constant 0 : i32
    %dma_wait3A_309 = arith.constant 0 : i32
    %dma_wait3A_310 = tpu.memref_slice %arg5[%dma_wait3A_308, %dma_wait3A_309] : memref<100000x128xf32, #tpu.memory_space<hbm>> -> memref<100000x128xf32, #tpu.memory_space<hbm>>
    tpu.wait_indirect_dma semaphore(%arg15 : memref<!tpu.dma_semaphore, #tpu.memory_space<semaphore_mem>>) src(%dma_wait3A_310 : memref<100000x128xf32, #tpu.memory_space<hbm>>) dst(%dma_wait3A_304 : memref<128x128xf32, #tpu.memory_space<vmem>>)
    %dma_wait3A_311 = arith.constant 3 : i32
    %dma_wait3A_312 = arith.constant 384 : i32
    %dma_wait3A_313 = arith.constant 0 : i32
    %dma_wait3A_314 = tpu.memref_slice %arg14[%dma_wait3A_312, %dma_wait3A_313] : memref<512x128xf32, #tpu.memory_space<vmem>> -> memref<128x128xf32, #tpu.memory_space<vmem>>
    %dma_wait3A_315 = arith.constant 0 : i32
    %dma_wait3A_316 = tpu.memref_slice %arg13[%dma_wait3A_311, %dma_wait3A_315] : memref<4x128xi32, #tpu.memory_space<vmem>> -> memref<1x128xi32, #tpu.memory_space<vmem>>
    %dma_wait3A_317 = tpu.memref_squeeze %dma_wait3A_316 : memref<1x128xi32, #tpu.memory_space<vmem>> -> memref<128xi32, #tpu.memory_space<vmem>>
    %dma_wait3A_318 = arith.constant 0 : i32
    %dma_wait3A_319 = arith.constant 0 : i32
    %dma_wait3A_320 = tpu.memref_slice %arg5[%dma_wait3A_318, %dma_wait3A_319] : memref<100000x128xf32, #tpu.memory_space<hbm>> -> memref<100000x128xf32, #tpu.memory_space<hbm>>
    tpu.wait_indirect_dma semaphore(%arg15 : memref<!tpu.dma_semaphore, #tpu.memory_space<semaphore_mem>>) src(%dma_wait3A_320 : memref<100000x128xf32, #tpu.memory_space<hbm>>) dst(%dma_wait3A_314 : memref<128x128xf32, #tpu.memory_space<vmem>>)
    "tpu.region"() ({
      %run_scoped3A = tpu.sem_alloc : memref<!tpu.dma_semaphore, #tpu.memory_space<semaphore_mem>>
      %dma_start3A_321 = arith.constant 0 : i32
      %dma_start3A_322 = tpu.memref_slice %arg11[%mul3A_2, %dma_start3A_321] : memref<16384x128xf32, #tpu.memory_space<hbm>> -> memref<512x128xf32, #tpu.memory_space<hbm>>
      %dma_start3A_323 = arith.constant 0 : i32
      %dma_start3A_324 = tpu.memref_slice %arg11[%mul3A_2, %dma_start3A_323] : memref<16384x128xf32, #tpu.memory_space<hbm>> -> memref<512x128xf32, #tpu.memory_space<hbm>>
      tpu.enqueue_dma source(%arg14 : memref<512x128xf32, #tpu.memory_space<vmem>>) target(%dma_start3A_324 : memref<512x128xf32, #tpu.memory_space<hbm>>) target_semaphore(%run_scoped3A : memref<!tpu.dma_semaphore, #tpu.memory_space<semaphore_mem>>)
      %dma_wait3A_325 = arith.constant 0 : i32
      %dma_wait3A_326 = tpu.memref_slice %arg11[%mul3A_2, %dma_wait3A_325] : memref<16384x128xf32, #tpu.memory_space<hbm>> -> memref<512x128xf32, #tpu.memory_space<hbm>>
      %dma_wait3A_327 = arith.constant 0 : i32
      %dma_wait3A_328 = tpu.memref_slice %arg11[%mul3A_2, %dma_wait3A_327] : memref<16384x128xf32, #tpu.memory_space<hbm>> -> memref<512x128xf32, #tpu.memory_space<hbm>>
      tpu.wait_dma2 semaphore(%run_scoped3A : memref<!tpu.dma_semaphore, #tpu.memory_space<semaphore_mem>>) src(%arg14 : memref<512x128xf32, #tpu.memory_space<vmem>>) dst(%dma_wait3A_328 : memref<512x128xf32, #tpu.memory_space<hbm>>)
      tpu.yield
    }) : () -> ()
    return
  }
}

module attributes {stable_mosaic.version = 14 : i64} {
  func.func @_tc_body(%arg0: i32, %arg1: memref<2048x128xf32, #tpu.memory_space<vmem>>, %arg2: memref<2048x128xf32, #tpu.memory_space<vmem>>, %arg3: memref<2048x128xf32, #tpu.memory_space<vmem>>, %arg4: memref<2048x128xf32, #tpu.memory_space<vmem>>, %arg5: memref<128x256xf32, #tpu.memory_space<vmem>>, %arg6: memref<128x256xf32, #tpu.memory_space<vmem>>, %arg7: memref<1x256xf32, #tpu.memory_space<vmem>>, %arg8: memref<256x128xf32, #tpu.memory_space<vmem>>, %arg9: memref<1x128xf32, #tpu.memory_space<vmem>>, %arg10: memref<128x64xf32, #tpu.memory_space<vmem>>, %arg11: memref<1x64xf32, #tpu.memory_space<vmem>>, %arg12: memref<128x1xf32, #tpu.memory_space<vmem>>, %arg13: memref<64x1xf32, #tpu.memory_space<vmem>>, %arg14: memref<1x1xf32, #tpu.memory_space<vmem>>, %arg15: memref<2048x1xf32, #tpu.memory_space<vmem>>) attributes {dimension_semantics = [#tpu.dimension_semantics<arbitrary>], iteration_bounds = array<i64: 8>, scalar_prefetch = 0 : i64, scratch_operands = 0 : i64, tpu.core_type = #tpu.core_type<tc>, window_params = [{transform_indices = @transform_0, window_bounds = array<i64: 2048, 128>}, {transform_indices = @transform_1, window_bounds = array<i64: 2048, 128>}, {transform_indices = @transform_2, window_bounds = array<i64: 2048, 128>}, {transform_indices = @transform_3, window_bounds = array<i64: 2048, 128>}, {pipeline_mode = #tpu.pipeline_mode<synchronous>, transform_indices = @transform_4, window_bounds = array<i64: 128, 256>}, {pipeline_mode = #tpu.pipeline_mode<synchronous>, transform_indices = @transform_5, window_bounds = array<i64: 128, 256>}, {pipeline_mode = #tpu.pipeline_mode<synchronous>, transform_indices = @transform_6, window_bounds = array<i64: 1, 256>}, {pipeline_mode = #tpu.pipeline_mode<synchronous>, transform_indices = @transform_7, window_bounds = array<i64: 256, 128>}, {pipeline_mode = #tpu.pipeline_mode<synchronous>, transform_indices = @transform_8, window_bounds = array<i64: 1, 128>}, {pipeline_mode = #tpu.pipeline_mode<synchronous>, transform_indices = @transform_9, window_bounds = array<i64: 128, 64>}, {pipeline_mode = #tpu.pipeline_mode<synchronous>, transform_indices = @transform_10, window_bounds = array<i64: 1, 64>}, {pipeline_mode = #tpu.pipeline_mode<synchronous>, transform_indices = @transform_11, window_bounds = array<i64: 128, 1>}, {pipeline_mode = #tpu.pipeline_mode<synchronous>, transform_indices = @transform_12, window_bounds = array<i64: 64, 1>}, {pipeline_mode = #tpu.pipeline_mode<synchronous>, transform_indices = @transform_13, window_bounds = array<i64: 1, 1>}, {transform_indices = @transform_14, window_bounds = array<i64: 2048, 1>}]} {
    %get3A = arith.constant 0 : index
    %get3A_0 = arith.constant 0 : index
    %get3A_1 = vector.load %arg3[%get3A, %get3A_0] : memref<2048x128xf32, #tpu.memory_space<vmem>>, vector<2048x128xf32>
    %get3A_2 = arith.constant 0 : index
    %get3A_3 = arith.constant 0 : index
    %get3A_4 = vector.load %arg5[%get3A_2, %get3A_3] : memref<128x256xf32, #tpu.memory_space<vmem>>, vector<128x256xf32>
    %dot_general3A = arith.constant dense<0.000000e+00> : vector<2048x256xf32>
    %dot_general3A_5 = tpu.matmul %get3A_1, %get3A_4, %dot_general3A {dimension_numbers = #tpu.dot_dimension_numbers<[1], [0], [0], [1], [0, 0, 1, 1], [], []>, transpose_lhs_hint = false} : vector<2048x128xf32>, vector<128x256xf32>, vector<2048x256xf32> -> vector<2048x256xf32>
    %get3A_6 = arith.constant 0 : index
    %get3A_7 = arith.constant 0 : index
    %get3A_8 = vector.load %arg4[%get3A_6, %get3A_7] : memref<2048x128xf32, #tpu.memory_space<vmem>>, vector<2048x128xf32>
    %get3A_9 = arith.constant 0 : index
    %get3A_10 = arith.constant 0 : index
    %get3A_11 = vector.load %arg6[%get3A_9, %get3A_10] : memref<128x256xf32, #tpu.memory_space<vmem>>, vector<128x256xf32>
    %dot_general3A_12 = arith.constant dense<0.000000e+00> : vector<2048x256xf32>
    %dot_general3A_13 = tpu.matmul %get3A_8, %get3A_11, %dot_general3A_12 {dimension_numbers = #tpu.dot_dimension_numbers<[1], [0], [0], [1], [0, 0, 1, 1], [], []>, transpose_lhs_hint = false} : vector<2048x128xf32>, vector<128x256xf32>, vector<2048x256xf32> -> vector<2048x256xf32>
    %add3A = arith.addf %dot_general3A_5, %dot_general3A_13 : vector<2048x256xf32>
    %get3A_14 = arith.constant 0 : index
    %get3A_15 = arith.constant 0 : index
    %get3A_16 = vector.load %arg7[%get3A_14, %get3A_15] : memref<1x256xf32, #tpu.memory_space<vmem>>, vector<1x256xf32>
    %add3A_17 = vector.broadcast %get3A_16 : vector<1x256xf32> to vector<2048x256xf32>
    %add3A_18 = arith.addf %add3A, %add3A_17 : vector<2048x256xf32>
    %max3A = arith.constant 0.000000e+00 : f32
    %max3A_19 = vector.broadcast %max3A : f32 to vector<2048x256xf32>
    %max3A_20 = arith.maximumf %add3A_18, %max3A_19 : vector<2048x256xf32>
    %get3A_21 = arith.constant 0 : index
    %get3A_22 = arith.constant 0 : index
    %get3A_23 = vector.load %arg8[%get3A_21, %get3A_22] : memref<256x128xf32, #tpu.memory_space<vmem>>, vector<256x128xf32>
    %dot_general3A_24 = arith.constant dense<0.000000e+00> : vector<2048x128xf32>
    %dot_general3A_25 = tpu.matmul %max3A_20, %get3A_23, %dot_general3A_24 {dimension_numbers = #tpu.dot_dimension_numbers<[1], [0], [0], [1], [0, 0, 1, 1], [], []>, transpose_lhs_hint = false} : vector<2048x256xf32>, vector<256x128xf32>, vector<2048x128xf32> -> vector<2048x128xf32>
    %get3A_26 = arith.constant 0 : index
    %get3A_27 = arith.constant 0 : index
    %get3A_28 = vector.load %arg9[%get3A_26, %get3A_27] : memref<1x128xf32, #tpu.memory_space<vmem>>, vector<1x128xf32>
    %add3A_29 = vector.broadcast %get3A_28 : vector<1x128xf32> to vector<2048x128xf32>
    %add3A_30 = arith.addf %dot_general3A_25, %add3A_29 : vector<2048x128xf32>
    %max3A_31 = arith.constant 0.000000e+00 : f32
    %max3A_32 = vector.broadcast %max3A_31 : f32 to vector<2048x128xf32>
    %max3A_33 = arith.maximumf %add3A_30, %max3A_32 : vector<2048x128xf32>
    %get3A_34 = arith.constant 0 : index
    %get3A_35 = arith.constant 0 : index
    %get3A_36 = vector.load %arg10[%get3A_34, %get3A_35] : memref<128x64xf32, #tpu.memory_space<vmem>>, vector<128x64xf32>
    %dot_general3A_37 = arith.constant dense<0.000000e+00> : vector<2048x64xf32>
    %dot_general3A_38 = tpu.matmul %max3A_33, %get3A_36, %dot_general3A_37 {dimension_numbers = #tpu.dot_dimension_numbers<[1], [0], [0], [1], [0, 0, 1, 1], [], []>, transpose_lhs_hint = false} : vector<2048x128xf32>, vector<128x64xf32>, vector<2048x64xf32> -> vector<2048x64xf32>
    %get3A_39 = arith.constant 0 : index
    %get3A_40 = arith.constant 0 : index
    %get3A_41 = vector.load %arg11[%get3A_39, %get3A_40] : memref<1x64xf32, #tpu.memory_space<vmem>>, vector<1x64xf32>
    %add3A_42 = vector.broadcast %get3A_41 : vector<1x64xf32> to vector<2048x64xf32>
    %add3A_43 = arith.addf %dot_general3A_38, %add3A_42 : vector<2048x64xf32>
    %max3A_44 = arith.constant 0.000000e+00 : f32
    %max3A_45 = vector.broadcast %max3A_44 : f32 to vector<2048x64xf32>
    %max3A_46 = arith.maximumf %add3A_43, %max3A_45 : vector<2048x64xf32>
    %get3A_47 = arith.constant 0 : index
    %get3A_48 = arith.constant 0 : index
    %get3A_49 = vector.load %arg1[%get3A_47, %get3A_48] : memref<2048x128xf32, #tpu.memory_space<vmem>>, vector<2048x128xf32>
    %get3A_50 = arith.constant 0 : index
    %get3A_51 = arith.constant 0 : index
    %get3A_52 = vector.load %arg2[%get3A_50, %get3A_51] : memref<2048x128xf32, #tpu.memory_space<vmem>>, vector<2048x128xf32>
    %mul3A = arith.mulf %get3A_49, %get3A_52 : vector<2048x128xf32>
    %get3A_53 = arith.constant 0 : index
    %get3A_54 = arith.constant 0 : index
    %get3A_55 = vector.load %arg12[%get3A_53, %get3A_54] : memref<128x1xf32, #tpu.memory_space<vmem>>, vector<128x1xf32>
    %dot_general3A_56 = arith.constant dense<0.000000e+00> : vector<2048x1xf32>
    %dot_general3A_57 = tpu.matmul %mul3A, %get3A_55, %dot_general3A_56 {dimension_numbers = #tpu.dot_dimension_numbers<[1], [0], [0], [1], [0, 0, 1, 1], [], []>, transpose_lhs_hint = false} : vector<2048x128xf32>, vector<128x1xf32>, vector<2048x1xf32> -> vector<2048x1xf32>
    %get3A_58 = arith.constant 0 : index
    %get3A_59 = arith.constant 0 : index
    %get3A_60 = vector.load %arg13[%get3A_58, %get3A_59] : memref<64x1xf32, #tpu.memory_space<vmem>>, vector<64x1xf32>
    %dot_general3A_61 = arith.constant dense<0.000000e+00> : vector<2048x1xf32>
    %dot_general3A_62 = tpu.matmul %max3A_46, %get3A_60, %dot_general3A_61 {dimension_numbers = #tpu.dot_dimension_numbers<[1], [0], [0], [1], [0, 0, 1, 1], [], []>, transpose_lhs_hint = false} : vector<2048x64xf32>, vector<64x1xf32>, vector<2048x1xf32> -> vector<2048x1xf32>
    %add3A_63 = arith.addf %dot_general3A_57, %dot_general3A_62 : vector<2048x1xf32>
    %get3A_64 = arith.constant 0 : index
    %get3A_65 = arith.constant 0 : index
    %get3A_66 = vector.load %arg14[%get3A_64, %get3A_65] : memref<1x1xf32, #tpu.memory_space<vmem>>, vector<1x1xf32>
    %add3A_67 = vector.broadcast %get3A_66 : vector<1x1xf32> to vector<2048x1xf32>
    %add3A_68 = arith.addf %add3A_63, %add3A_67 : vector<2048x1xf32>
    %logistic3A = arith.negf %add3A_68 : vector<2048x1xf32>
    %logistic3A_69 = math.exp %logistic3A : vector<2048x1xf32>
    %logistic3A_70 = arith.constant 1.000000e+00 : f32
    %logistic3A_71 = vector.broadcast %logistic3A_70 : f32 to vector<2048x1xf32>
    %logistic3A_72 = arith.addf %logistic3A_71, %logistic3A_69 : vector<2048x1xf32>
    %logistic3A_73 = arith.divf %logistic3A_71, %logistic3A_72 : vector<2048x1xf32>
    %swap3A = arith.constant 0 : index
    %swap3A_74 = arith.constant 0 : index
    %swap3A_75 = vector.load %arg15[%swap3A, %swap3A_74] : memref<2048x1xf32, #tpu.memory_space<vmem>>, vector<2048x1xf32>
    tpu.vector_store %arg15[%swap3A, %swap3A_74], %logistic3A_73 {strides = array<i32>} : memref<2048x1xf32, #tpu.memory_space<vmem>>, vector<2048x1xf32>,
    return
  }
  func.func @transform_0(%arg0: i32) -> (i32, i32) {
    %c0_i32 = arith.constant 0 : i32
    %c0_i32_0 = arith.constant 0 : i32
    return %arg0, %c0_i32 : i32, i32
  }
  func.func @transform_1(%arg0: i32) -> (i32, i32) {
    %c0_i32 = arith.constant 0 : i32
    %c0_i32_0 = arith.constant 0 : i32
    return %arg0, %c0_i32 : i32, i32
  }
  func.func @transform_2(%arg0: i32) -> (i32, i32) {
    %c0_i32 = arith.constant 0 : i32
    %c0_i32_0 = arith.constant 0 : i32
    return %arg0, %c0_i32 : i32, i32
  }
  func.func @transform_3(%arg0: i32) -> (i32, i32) {
    %c0_i32 = arith.constant 0 : i32
    %c0_i32_0 = arith.constant 0 : i32
    return %arg0, %c0_i32 : i32, i32
  }
  func.func @transform_4(%arg0: i32) -> (i32, i32) {
    %c0_i32 = arith.constant 0 : i32
    %c0_i32_0 = arith.constant 0 : i32
    %c0_i32_1 = arith.constant 0 : i32
    return %c0_i32, %c0_i32_0 : i32, i32
  }
  func.func @transform_5(%arg0: i32) -> (i32, i32) {
    %c0_i32 = arith.constant 0 : i32
    %c0_i32_0 = arith.constant 0 : i32
    %c0_i32_1 = arith.constant 0 : i32
    return %c0_i32, %c0_i32_0 : i32, i32
  }
  func.func @transform_6(%arg0: i32) -> (i32, i32) {
    %c0_i32 = arith.constant 0 : i32
    %c0_i32_0 = arith.constant 0 : i32
    %c0_i32_1 = arith.constant 0 : i32
    return %c0_i32, %c0_i32_0 : i32, i32
  }
  func.func @transform_7(%arg0: i32) -> (i32, i32) {
    %c0_i32 = arith.constant 0 : i32
    %c0_i32_0 = arith.constant 0 : i32
    %c0_i32_1 = arith.constant 0 : i32
    return %c0_i32, %c0_i32_0 : i32, i32
  }
  func.func @transform_8(%arg0: i32) -> (i32, i32) {
    %c0_i32 = arith.constant 0 : i32
    %c0_i32_0 = arith.constant 0 : i32
    %c0_i32_1 = arith.constant 0 : i32
    return %c0_i32, %c0_i32_0 : i32, i32
  }
  func.func @transform_9(%arg0: i32) -> (i32, i32) {
    %c0_i32 = arith.constant 0 : i32
    %c0_i32_0 = arith.constant 0 : i32
    %c0_i32_1 = arith.constant 0 : i32
    return %c0_i32, %c0_i32_0 : i32, i32
  }
  func.func @transform_10(%arg0: i32) -> (i32, i32) {
    %c0_i32 = arith.constant 0 : i32
    %c0_i32_0 = arith.constant 0 : i32
    %c0_i32_1 = arith.constant 0 : i32
    return %c0_i32, %c0_i32_0 : i32, i32
  }
  func.func @transform_11(%arg0: i32) -> (i32, i32) {
    %c0_i32 = arith.constant 0 : i32
    %c0_i32_0 = arith.constant 0 : i32
    %c0_i32_1 = arith.constant 0 : i32
    return %c0_i32, %c0_i32_0 : i32, i32
  }
  func.func @transform_12(%arg0: i32) -> (i32, i32) {
    %c0_i32 = arith.constant 0 : i32
    %c0_i32_0 = arith.constant 0 : i32
    %c0_i32_1 = arith.constant 0 : i32
    return %c0_i32, %c0_i32_0 : i32, i32
  }
  func.func @transform_13(%arg0: i32) -> (i32, i32) {
    %c0_i32 = arith.constant 0 : i32
    %c0_i32_0 = arith.constant 0 : i32
    %c0_i32_1 = arith.constant 0 : i32
    return %c0_i32, %c0_i32_0 : i32, i32
  }
  func.func @transform_14(%arg0: i32) -> (i32, i32) {
    %c0_i32 = arith.constant 0 : i32
    %c0_i32_0 = arith.constant 0 : i32
    return %arg0, %c0_i32 : i32, i32
  }
}

</mosaic_0001>

<sc_bundles>
// kernel: kernel.4.cloned.1.call-start
scs
__scs_entry_jumppad:
0x0: {  	(pc) =	sbr.rel $0x88, $3  }
0x1: {  	(tag) =	ssettag $0x0;
	lr =	simm.s32 $0x1  }
0x2: {  	[smem:$0x3F93] =	sst lr;
	_ =	strace $0xD0000000  }
0x3: {  	_ = 	snop  }
0x4: {  	_ = 	snop  }
0x5: {  	_ = 	snop  }
0x6: {  	_ = 	snop  }
0x7: {  	_ = 	snop  }
__scs_overlays_trampoline_lowered:
0x8: {  	[smem:$0x3FA2] =	sst s0  }
0x9: {  	[smem:$0x3FA3] =	sst s1  }
0xa: {  	[smem:$0x3FA4] =	sst s2  }
0xb: {  	[smem:$0x3FA5] =	sst s3  }
0xc: {  	[smem:$0x3FA6] =	sst s4  }
0xd: {  	[smem:$0x3FA7] =	sst s5  }
0xe: {  	[smem:$0x3FA8] =	sst s6  }
0xf: {  	[smem:$0x3FA9] =	sst s7  }
0x10: {  	[smem:$0x3FAA] =	sst s8  }
0x11: {  	[smem:$0x3FAB] =	sst s9;
	s0 =	simm.s32 @!p0 $0x0  }
0x12: {  	s1 =	sld [smem:$0x3F91];
	s0 =	simm.s32 @p0 $0x1  }
0x13: {  	[smem:$0x3FAC] =	sst s0;
	s0 =	simm.s32 @!p1 $0x0  }
0x14: {  	s2 =	sld [smem:$0x3F90];
	s0 =	simm.s32 @p1 $0x1  }
0x15: {  	[smem:$0x3FAD] =	sst s0;
	s0 =	simm.s32 @!p2 $0x0  }
0x16: {  	s3 =	sld [smem:$0x3FDB];
	s0 =	simm.s32 @p2 $0x1  }
0x17: {  	s4 =	simm.s32 $0x1BF5;
	[smem:$0x3FAF] =	sst s0  }
0x18: {  	s0 =	sld [smem:$0x3F92];
	_ =	swait.ge [sflag:s4], $0x0  }
0x19: {  	s7 =	sld [smem:$0x3F93]  }
0x1a: {  	s8 =	sadd.s32 $0xFFFFE003, lr  }
0x1b: {  	s9 =	sadd.s32 $0xFFFFFEF7, lr;
	s5 =	simm.s32 $0xFFFFFFFF;
	p2 =	slt.u32 s8, $0xFFFFF086  }
0x1c: {  	p1 =	slt.u32 s9, $0xF7A;
	s5 =	simm.s32 @!p2 $0x0  }
0x1d: {  	s5 =	simm.s32 @p1 $0x1;
	p0 =	seq.s32 s7, s2  }
0x1e: {  	s7 =	smul.u32 @!p0 $0xF7A, s2;
	p2 =	seq.s32 @!p0 s5, $0x0  }
0x1f: {  	s9 =	smul.u32 $0xF7A, s1;
	s8 =	simm.s32 @!p0 $0x1BF5;
	p2 =	por !p2, p0  }
0x20: {  	[sflag:s8] =	ssyncset.s32 @!p0 $0xFFFFF086;
	s6 =	sadd.s32 @!p0 s3, s7;
	s7 =	simm.s32 @!p0 $0x108  }
0x21: {  	s3 =	sadd.s32 s3, s9;
	s6 =	sadd.s32 @!p0 $0x88, s6;
	s7 =	simm.s32 @p2 $0x1082  }
0x22: {  	[simem:s7], [sflag:s8] =	dma.local @!p0 [hbm:s6], $0xF7A  }
0x23: {  	s9 =	sor.u32 $0xD0000000, s2;
	s6 =	simm.s32 $0x108;
	_ =	swait.ge @!p0 [sflag:s8], $0x0  }
0x24: {  	s3 =	sadd.s32 $0x88, s3;
	s6 =	simm.s32 @!p1 $0x1082;
	[sflag:s4] =	ssyncset.s32 $0xFFFFF086  }
0x25: {  	[simem:s6], [sflag:s4] =	dma.local [hbm:s3], $0xF7A  }
0x26: {  	[smem:$0x3F93] =	sst s1;
	(tag) =	ssettag s2;
	_ =	strace s9  }
0x27: {  	s1 =	sld [smem:$0x3FA3]  }
0x28: {  	s2 =	sld [smem:$0x3FA4]  }
0x29: {  	s4 =	sld [smem:$0x3FA6]  }
0x2a: {  	p0 =	seq.s32 s5, $0x0;
	s5 =	sld [smem:$0x3FA7]  }
0x2b: {  	s6 =	sld [smem:$0x3FA8]  }
0x2c: {  	s7 =	sld [smem:$0x3FA9]  }
0x2d: {  	s3 =	simm.s32 $0x108;
	s8 =	sld [smem:$0x3FAA]  }
0x2e: {  	s3 =	simm.s32 @!p0 $0x1082;
	s9 =	sld [smem:$0x3FAB]  }
0x2f: {  	lr =	sadd.s32 s0, s3;
	s0 =	sld [smem:$0x3FA2]  }
0x30: {  	s3 =	sld [smem:$0x3FA5]  }
0x31: {  	[smem:$0x3FAE] =	sst s10  }
0x32: {  	s10 =	sld [smem:$0x3FAC];
	_ =	sdelay $0x3  }
0x33: {  	p0 =	seq.s32 s10, $0x1;
	s10 =	sld [smem:$0x3FAE];
	_ =	sdelay $0x3  }
0x34: {  	[smem:$0x3FAE] =	sst s10  }
0x35: {  	s10 =	sld [smem:$0x3FAD];
	_ =	sdelay $0x3  }
0x36: {  	p1 =	seq.s32 s10, $0x1;
	s10 =	sld [smem:$0x3FAE];
	_ =	sdelay $0x3  }
0x37: {  	[smem:$0x3FAE] =	sst s10  }
0x38: {  	s10 =	sld [smem:$0x3FAF]  }
0x39: {  	_ = 	snop;
	(pc) =	sbr.ind lr, $3  }
0x3a: {  	_ = 	snop  }
0x3b: {  	_ = 	snop  }
0x3c: {  	p2 =	seq.s32 s10, $0x1;
	s10 =	sld [smem:$0x3FAE]  }
0x3d: {  	_ =	shalt  }
0x3e: {  	_ =	shalt  }
0x3f: {  	_ =	shalt  }
0x40: {  	_ =	shalt  }
0x41: {  	_ =	shalt  }
0x42: {  	_ =	shalt  }
0x43: {  	_ =	shalt  }
0x44: {  	_ =	shalt  }
0x45: {  	_ =	shalt  }
0x46: {  	_ =	shalt  }
0x47: {  	_ =	shalt  }
0x48: {  	_ =	shalt  }
0x49: {  	_ =	shalt  }
0x4a: {  	_ =	shalt  }
0x4b: {  	_ =	shalt  }
0x4c: {  	_ =	shalt  }
0x4d: {  	_ =	shalt  }
0x4e: {  	_ =	shalt  }
0x4f: {  	_ =	shalt  }
0x50: {  	_ =	shalt  }
0x51: {  	_ =	shalt  }
0x52: {  	_ =	shalt  }
0x53: {  	_ =	shalt  }
0x54: {  	_ =	shalt  }
0x55: {  	_ =	shalt  }
0x56: {  	_ =	shalt  }
0x57: {  	_ =	shalt  }
0x58: {  	_ =	shalt  }
0x59: {  	_ =	shalt  }
0x5a: {  	_ =	shalt  }
0x5b: {  	_ =	shalt  }
0x5c: {  	_ =	shalt  }
0x5d: {  	_ =	shalt  }
0x5e: {  	_ =	shalt  }
0x5f: {  	_ =	shalt  }
0x60: {  	_ =	shalt  }
0x61: {  	_ =	shalt  }
0x62: {  	_ =	shalt  }
0x63: {  	_ =	shalt  }
0x64: {  	_ =	shalt  }
0x65: {  	_ =	shalt  }
0x66: {  	_ =	shalt  }
0x67: {  	_ =	shalt  }
0x68: {  	_ =	shalt  }
0x69: {  	_ =	shalt  }
0x6a: {  	_ =	shalt  }
0x6b: {  	_ =	shalt  }
0x6c: {  	_ =	shalt  }
0x6d: {  	_ =	shalt  }
0x6e: {  	_ =	shalt  }
0x6f: {  	_ =	shalt  }
0x70: {  	_ =	shalt  }
0x71: {  	_ =	shalt  }
0x72: {  	_ =	shalt  }
0x73: {  	_ =	shalt  }
0x74: {  	_ =	shalt  }
0x75: {  	_ =	shalt  }
0x76: {  	_ =	shalt  }
0x77: {  	_ =	shalt  }
0x78: {  	_ =	shalt  }
0x79: {  	_ =	shalt  }
0x7a: {  	_ =	shalt  }
0x7b: {  	_ =	shalt  }
0x7c: {  	_ =	shalt  }
0x7d: {  	_ =	shalt  }
0x7e: {  	_ =	shalt  }
0x7f: {  	_ =	shalt  }
0x80: {  	_ =	shalt  }
0x81: {  	_ =	shalt  }
0x82: {  	_ =	shalt  }
0x83: {  	_ =	shalt  }
0x84: {  	_ =	shalt  }
0x85: {  	_ =	shalt  }
0x86: {  	_ =	shalt  }
0x87: {  	_ =	shalt  }
.Lfunc_end0:
.L_simem_size_0:
called_computation_lowered:
.L_overlay_start_0:
0x88: {  	s2 =	sld [smem:$0x3FD9]  }
0x89: {  	s3 =	sld [smem:$0x3FFE];
	_ =	sdelay $0x1  }
0x8a: {  	s1 =	srdreg.scid  }
0x8b: {  	s0 =	sand.u32 $0x1, s1  }
0x8c: {  	s17 =	sshll.u32 s0, $0xA;
	s2 =	sadd.s32 s3, s2  }
0x8d: {  	s2 =	sadd.s32 s2, s17  }
0x8e: {  	[smem:$0x3FBA] =	sst s2  }
0x8f: {  	_ = 	snop  }
0x90: {  	s2 =	sld [smem:$0x3FC9]  }
0x91: {  	s18 =	sld [smem:$0x3FC8]  }
0x92: {  	s4 =	sld [smem:$0x3FC7]  }
0x93: {  	s5 =	sld [smem:$0x3FC6]  }
0x94: {  	s6 =	sld [smem:$0x3FBD]  }
0x95: {  	s7 =	sld [smem:$0x3FBC];
	(tm) =	ssettm $0x1  }
0x96: {  	s8 =	sld [smem:$0x3FFB];
	_ =	sdelay $0x3  }
0x97: {  	_ =	strace s8  }
0x98: {  	s8 =	sld [smem:$0x3FFC];
	_ =	sdelay $0x3  }
0x99: {  	_ =	strace s8  }
0x9a: {  	s8 =	sld [smem:$0x3FFD];
	_ =	sdelay $0x3  }
0x9b: {  	_ =	strace s8  }
0x9c: {  	_ =	strace $0x8FFFFFFF  }
0x9d: {  	s19 =	sld [smem:$0x3FDB];
	_ =	sdelay $0x1  }
0x9e: {  	s9 =	simm.s32 $_scs_section_size  }
0x9f: {  	s10 =	simm.s32 $_size__tile_overlayer_lowered;
	s11 =	simm.s32 $_tile_overlayer_lowered  }
0xa0: {  	s22 =	simm.s32 $0x1BFF;
	s21 =	sshll.u32 s11, $0x1;
	s8 =	sadd.s32 s9, s19  }
0xa1: {  	s12 =	simm.s32 $0x0;
	s20 =	sshll.u32 s10, $0x1;
	s10 =	sadd.s32 s21, s8  }
0xa2: {  	[timem:s12], [sflag:s22] =	dma.local [hbm:s10], s20  }
0xa3: {  	_ =	swait.ge [sflag:s22], s20  }
0xa4: {  	s9 =	ssub.s32 $0x0, s20;
	[sflag:s22] =	ssyncset.done $0x0  }
0xa5: {  	[sflag:s22] =	ssyncadd.s32 s9;
	_ =	sdelay $0x1  }
0xa6: {  	s23 =	simm.s32 $0x1B8B  }
0xa7: {  	_ =	swait.ge [sflag:s23], $0x1  }
0xa8: {  	[sflag:s23] =	ssyncset.done $0x0  }
0xa9: {  	s25 =	simm.s32 $0x1B8E;
	s24 =	sld [smem:$0x3FFE];
	[sflag:s23] =	ssyncadd.s32 $0xFFFFFFFF  }
0xaa: {  	s26 =	simm.s32 $execute0_lowered;
	[smem:$0x3FD2] =	sst s25  }
0xab: {  	s10 =	sshll.u32 s26, $0x1;
	_ =	strace $0x80000046;
	[dreg:$0x1] =	wrdreg $0xFFFFFFFF  }
0xac: {  	s28 =	simm.s32 $_size_execute0_lowered;
	s8 =	sadd.s32 s8, s10;
	[dreg:$0x0] =	wrdreg $0x0  }
0xad: {  	s10 =	sshll.u32 s28, $0x1;
	[dreg:$0x2] =	wrdreg s8  }
0xae: {  	[dreg:$0x3] =	wrdreg s10  }
0xaf: {  	[dreg:$0x4] =	wrdreg $0xC0  }
0xb0: {  	_ =	task [dreg:s12], $0x5FFFF  }
0xb1: {  	[dreg:$0x1] =	wrdreg $0xFFFFFFFF  }
0xb2: {  	[dreg:$0x0] =	wrdreg $0x60  }
0xb3: {  	[dreg:$0x2] =	wrdreg s2  }
0xb4: {  	[dreg:$0x3] =	wrdreg s18  }
0xb5: {  	[dreg:$0x4] =	wrdreg s4  }
0xb6: {  	[dreg:$0x5] =	wrdreg s5  }
0xb7: {  	[dreg:$0x6] =	wrdreg s6  }
0xb8: {  	[dreg:$0x7] =	wrdreg s7  }
0xb9: {  	[dreg:$0x8] =	wrdreg s24  }
0xba: {  	[dreg:$0x9] =	wrdreg $0x9  }
0xbb: {  	_ =	task.clear_ibuf [dreg:s12], $0xAFFFF;
	_ =	strace $0x90000046  }
0xbc: {  	s29 =	simm.s32 $0x9;
	_ =	strace $0x80000048  }
0xbd: {  	_ =	swait.ge [sflag:s29], $0x1  }
0xbe: {  	[sflag:s29] =	ssyncadd.s32 $0xFFFFFFFF  }
0xbf: {  	_ =	strace $0x90000048  }
0xc0: {  	_ =	sfence  }
0xc1: {  	s30 =	sld [smem:$0x0];
	_ =	sdelay $0x2  }
0xc2: {  	s31 =	sshll.u32 s1, $0xD;
	s1 =	sshrl.u32 s1, $0x2  }
0xc3: {  	s3 =	sand.u32 $0x4000, s31;
	s1 =	sadd.s32 s1, s30  }
0xc4: {  	s0 =	sor.u32 s3, s0;
	s1 =	sshll.u32 s1, $0x11  }
0xc5: {  	s0 =	sor.u32 s1, s0  }
0xc6: {  	s0 =	sadd.s32 $0x8F2B, s0  }
0xc7: {  	[sflag:s0] =	ssyncadd.remote.s32 $0x1  }
0xc8: {  	_ =	sfence.sel $0xFFFF  }
0xc9: {  	[dreg:$0x0] =	wrdreg $0xFFFFFFFF;
	(pc) =	sbr.abs _section_cstart, $3  }
0xca: {  	[dreg:$0x1] =	wrdreg $0xFFFFFFFF  }
0xcb: {  	_ =	task.clear_ibuf [dreg:s12], $0x2FFFF;
	_ =	strace $0x9FFFFFFF  }
0xcc: {  	(tm) =	ssettm $0x7FFFFFFF  }
0xcd: {  	_ =	shalt  }
tec
execute0_lowered:
.L_overlay_start_1:
0x0: {  	(tag) =	ssettag $0x1  }
0x1: {  	s0 =	rddreg [dreg:$0x0]  }
0x2: {  	s1 =	rddreg [dreg:$0x1]  }
0x3: {  	s3 =	rddreg [dreg:$0x2]  }
0x4: {  	s4 =	rddreg [dreg:$0x3]  }
0x5: {  	s7 =	rddreg [dreg:$0x4];
	s5 =	srdreg.scid  }
0x6: {  	s9 =	rddreg [dreg:$0x5];
	s2 =	stileid.u32;
	s25 =	sand.u32 $0x1, s5  }
0x7: {  	s19 =	rddreg [dreg:$0x6];
	s8 =	sshll.u32 s2, $0xA;
	s10 =	sshll.u32 s25, $0x9  }
0x8: {  	s6 =	simm.s32 $0x0;
	s5 =	rddreg [dreg:$0x7];
	s20 =	sor.u32 s10, s8  }
0x9: {  	[smem:$0x7FF] =	sst s6;
	s10 =	sshrl.u32 s20, $0x3  }
0xa: {  	_ =	strace $0x80000047;
	s8 =	sadd.s32 s7, s10;
	s7 =	simm.s32 $0x2  }
0xb: {  	[tilespmem:s6], [sflag:$0x2] =	stream.linear.gather [hbm4b:s8+s6], $0x200, $0x38;
	[tilespmem:$0x10400] =	vst v63  }
0xc: {  	_ =	swait.ge [sflag:s7], $0x200  }
0xd: {  	[sflag:s7] =	ssyncset.done $0x0  }
0xe: {  	s9 =	sadd.s32 s9, s10;
	s10 =	simm.s32 $0x200;
	[sflag:s7] =	ssyncadd.s32 $0xFFFFFE00  }
0xf: {  	[tilespmem:s10], [sflag:$0x2] =	stream.linear.gather [hbm4b:s9+s6], $0x200, $0x38;
	[tilespmem:$0x10400] =	vst v63  }
0x10: {  	_ =	swait.ge [sflag:s7], $0x200  }
0x11: {  	[sflag:s7] =	ssyncset.done $0x0  }
0x12: {  	s11 =	simm.s32 $0x80;
	s12 =	simm.s32 $0x400;
	[sflag:s7] =	ssyncadd.s32 $0xFFFFFE00  }
0x13: {  	[tilespmem:s12], [sflag:$0x1] =	stream.indirect.gather [hbm4b:s0+s11], $0x80, s6, s11, $0xb8;
	[tilespmem:$0x10400] =	vst v63  }
0x14: {  	s13 =	simm.s32 $0x4400  }
0x15: {  	[tilespmem:s13], [sflag:$0x1] =	stream.indirect.gather [hbm4b:s0+s11], $0x80, s11, s11, $0xb8;
	[tilespmem:$0x10400] =	vst v63  }
0x16: {  	s14 =	simm.s32 $0x100;
	s15 =	simm.s32 $0x8400  }
0x17: {  	[tilespmem:s15], [sflag:$0x1] =	stream.indirect.gather [hbm4b:s0+s11], $0x80, s14, s11, $0xb8;
	[tilespmem:$0x10400] =	vst v63  }
0x18: {  	s16 =	simm.s32 $0x180;
	s17 =	simm.s32 $0xC400;
	s18 =	simm.s32 $0x1  }
0x19: {  	[tilespmem:s17], [sflag:$0x1] =	stream.indirect.gather [hbm4b:s0+s11], $0x80, s16, s11, $0xb8;
	[tilespmem:$0x10400] =	vst v63  }
0x1a: {  	_ =	swait.ge [sflag:s18], $0x4000  }
0x1b: {  	[sflag:s18] =	ssyncset.done $0x0  }
0x1c: {  	[sflag:s18] =	ssyncadd.s32 $0xFFFFC000  }
0x1d: {  	_ =	swait.ge [sflag:s18], $0x4000  }
0x1e: {  	[sflag:s18] =	ssyncset.done $0x0  }
0x1f: {  	[sflag:s18] =	ssyncadd.s32 $0xFFFFC000  }
0x20: {  	_ =	swait.ge [sflag:s18], $0x4000  }
0x21: {  	[sflag:s18] =	ssyncset.done $0x0  }
0x22: {  	[sflag:s18] =	ssyncadd.s32 $0xFFFFC000  }
0x23: {  	s20 =	sshll.u32 s20, $0x4;
	_ =	swait.ge [sflag:s18], $0x4000  }
0x24: {  	s26 =	sadd.s32 s20, s19;
	[sflag:s18] =	ssyncset.done $0x0  }
0x25: {  	s19 =	sadd.s32 $0x1C00, s26;
	[sflag:s18] =	ssyncadd.s32 $0xFFFFC000  }
0x26: {  	[hbm4b:s19+s6] =	stream.linear.scatter [tilespmem:s12], [sflag:$0x2], $0x10000, $0x38;
	[tilespmem:$0x10400] =	vst v63  }
0x27: {  	_ =	swait.ge [sflag:s7], $0x10000  }
0x28: {  	[sflag:s7] =	ssyncset.done $0x0  }
0x29: {  	[sflag:s7] =	ssyncadd.s32 $0xFFFF0000  }
0x2a: {  	[tilespmem:s12], [sflag:$0x1] =	stream.indirect.gather [hbm4b:s1+s11], $0x80, s10, s11, $0xb8;
	[tilespmem:$0x10400] =	vst v63  }
0x2b: {  	s20 =	simm.s32 $0x280  }
0x2c: {  	[tilespmem:s13], [sflag:$0x1] =	stream.indirect.gather [hbm4b:s1+s11], $0x80, s20, s11, $0xb8;
	[tilespmem:$0x10400] =	vst v63  }
0x2d: {  	s21 =	simm.s32 $0x300  }
0x2e: {  	[tilespmem:s15], [sflag:$0x1] =	stream.indirect.gather [hbm4b:s1+s11], $0x80, s21, s11, $0xb8;
	[tilespmem:$0x10400] =	vst v63  }
0x2f: {  	s22 =	simm.s32 $0x380  }
0x30: {  	[tilespmem:s17], [sflag:$0x1] =	stream.indirect.gather [hbm4b:s1+s11], $0x80, s22, s11, $0xb8;
	[tilespmem:$0x10400] =	vst v63  }
0x31: {  	_ =	swait.ge [sflag:s18], $0x4000  }
0x32: {  	[sflag:s18] =	ssyncset.done $0x0  }
0x33: {  	[sflag:s18] =	ssyncadd.s32 $0xFFFFC000  }
0x34: {  	_ =	swait.ge [sflag:s18], $0x4000  }
0x35: {  	[sflag:s18] =	ssyncset.done $0x0  }
0x36: {  	[sflag:s18] =	ssyncadd.s32 $0xFFFFC000  }
0x37: {  	_ =	swait.ge [sflag:s18], $0x4000  }
0x38: {  	[sflag:s18] =	ssyncset.done $0x0  }
0x39: {  	[sflag:s18] =	ssyncadd.s32 $0xFFFFC000  }
0x3a: {  	_ =	swait.ge [sflag:s18], $0x4000  }
0x3b: {  	[sflag:s18] =	ssyncset.done $0x0  }
0x3c: {  	s23 =	sadd.s32 $0x41C00, s26;
	[sflag:s18] =	ssyncadd.s32 $0xFFFFC000  }
0x3d: {  	[hbm4b:s23+s6] =	stream.linear.scatter [tilespmem:s12], [sflag:$0x2], $0x10000, $0x38;
	[tilespmem:$0x10400] =	vst v63  }
0x3e: {  	_ =	swait.ge [sflag:s7], $0x10000  }
0x3f: {  	[sflag:s7] =	ssyncset.done $0x0  }
0x40: {  	[sflag:s7] =	ssyncadd.s32 $0xFFFF0000  }
0x41: {  	[tilespmem:s12], [sflag:$0x1] =	stream.indirect.gather [hbm4b:s3+s11], $0x80, s6, s11, $0xb8;
	[tilespmem:$0x10400] =	vst v63  }
0x42: {  	_ = 	snop  }
0x43: {  	[tilespmem:s13], [sflag:$0x1] =	stream.indirect.gather [hbm4b:s3+s11], $0x80, s11, s11, $0xb8;
	[tilespmem:$0x10400] =	vst v63  }
0x44: {  	_ = 	snop  }
0x45: {  	[tilespmem:s15], [sflag:$0x1] =	stream.indirect.gather [hbm4b:s3+s11], $0x80, s14, s11, $0xb8;
	[tilespmem:$0x10400] =	vst v63  }
0x46: {  	_ = 	snop  }
0x47: {  	[tilespmem:s17], [sflag:$0x1] =	stream.indirect.gather [hbm4b:s3+s11], $0x80, s16, s11, $0xb8;
	[tilespmem:$0x10400] =	vst v63  }
0x48: {  	_ =	swait.ge [sflag:s18], $0x4000  }
0x49: {  	[sflag:s18] =	ssyncset.done $0x0  }
0x4a: {  	[sflag:s18] =	ssyncadd.s32 $0xFFFFC000  }
0x4b: {  	_ =	swait.ge [sflag:s18], $0x4000  }
0x4c: {  	[sflag:s18] =	ssyncset.done $0x0  }
0x4d: {  	[sflag:s18] =	ssyncadd.s32 $0xFFFFC000  }
0x4e: {  	_ =	swait.ge [sflag:s18], $0x4000  }
0x4f: {  	[sflag:s18] =	ssyncset.done $0x0  }
0x50: {  	[sflag:s18] =	ssyncadd.s32 $0xFFFFC000  }
0x51: {  	_ =	swait.ge [sflag:s18], $0x4000  }
0x52: {  	[sflag:s18] =	ssyncset.done $0x0  }
0x53: {  	s24 =	sadd.s32 $0x81C00, s26;
	[sflag:s18] =	ssyncadd.s32 $0xFFFFC000  }
0x54: {  	[hbm4b:s24+s6] =	stream.linear.scatter [tilespmem:s12], [sflag:$0x2], $0x10000, $0x38;
	[tilespmem:$0x10400] =	vst v63  }
0x55: {  	_ =	swait.ge [sflag:s7], $0x10000  }
0x56: {  	[sflag:s7] =	ssyncset.done $0x0  }
0x57: {  	[sflag:s7] =	ssyncadd.s32 $0xFFFF0000  }
0x58: {  	[tilespmem:s12], [sflag:$0x1] =	stream.indirect.gather [hbm4b:s4+s11], $0x80, s10, s11, $0xb8;
	[tilespmem:$0x10400] =	vst v63  }
0x59: {  	_ = 	snop  }
0x5a: {  	[tilespmem:s13], [sflag:$0x1] =	stream.indirect.gather [hbm4b:s4+s11], $0x80, s20, s11, $0xb8;
	[tilespmem:$0x10400] =	vst v63  }
0x5b: {  	_ = 	snop  }
0x5c: {  	[tilespmem:s15], [sflag:$0x1] =	stream.indirect.gather [hbm4b:s4+s11], $0x80, s21, s11, $0xb8;
	[tilespmem:$0x10400] =	vst v63  }
0x5d: {  	_ = 	snop  }
0x5e: {  	[tilespmem:s17], [sflag:$0x1] =	stream.indirect.gather [hbm4b:s4+s11], $0x80, s22, s11, $0xb8;
	[tilespmem:$0x10400] =	vst v63  }
0x5f: {  	_ =	swait.ge [sflag:s18], $0x4000  }
0x60: {  	[sflag:s18] =	ssyncset.done $0x0  }
0x61: {  	[sflag:s18] =	ssyncadd.s32 $0xFFFFC000  }
0x62: {  	_ =	swait.ge [sflag:s18], $0x4000  }
0x63: {  	[sflag:s18] =	ssyncset.done $0x0  }
0x64: {  	s25 =	ssub.s32 $0x2, s25;
	[sflag:s18] =	ssyncadd.s32 $0xFFFFC000  }
0x65: {  	s28 =	sshrl.u32 s25, $0x1;
	_ =	swait.ge [sflag:s18], $0x4000  }
0x66: {  	s28 =	ssub.s32 s25, s28;
	[sflag:s18] =	ssyncset.done $0x0  }
0x67: {  	s31 =	smax.u32 s28, $0x1;
	[sflag:s18] =	ssyncadd.s32 $0xFFFFC000  }
0x68: {  	p0 =	sne.s32 s31, $0x1;
	_ =	swait.ge [sflag:s18], $0x4000  }
.Ltmp0:
0x69: {  	[sflag:s18] =	ssyncset.done $0x0;
	(pc) =	sbr.rel @!p0 .LBB2_2-.Ltmp0, $4  }
0x6a: {  	s25 =	sadd.s32 $0xC1C00, s26;
	[sflag:s18] =	ssyncadd.s32 $0xFFFFC000  }
0x6b: {  	[hbm4b:s25+s6] =	stream.linear.scatter [tilespmem:s12], [sflag:$0x2], $0x10000, $0x38;
	[tilespmem:$0x10400] =	vst v63  }
0x6c: {  	_ =	swait.ge [sflag:s7], $0x10000  }
0x6d: {  	s26 =	sadd.s32 $0xFFFFFFFF, s31;
	[sflag:s7] =	ssyncset.done $0x0  }
.LBB2_1:
0x6e: {  	p0 =	sne.s32 s26, $0x1;
	s26 =	sadd.s32 $0xFFFFFFFF, s26;
	[sflag:s7] =	ssyncadd.s32 $0xFFFF0000  }
0x6f: {  	[tilespmem:s6], [sflag:$0x2] =	stream.linear.gather [hbm4b:s8+s6], $0x200, $0x38;
	[tilespmem:$0x10400] =	vst v63  }
0x70: {  	_ =	swait.ge [sflag:s7], $0x200  }
0x71: {  	[sflag:s7] =	ssyncset.done $0x0  }
0x72: {  	[sflag:s7] =	ssyncadd.s32 $0xFFFFFE00  }
0x73: {  	[tilespmem:s10], [sflag:$0x2] =	stream.linear.gather [hbm4b:s9+s6], $0x200, $0x38;
	[tilespmem:$0x10400] =	vst v63  }
0x74: {  	_ =	swait.ge [sflag:s7], $0x200  }
0x75: {  	[sflag:s7] =	ssyncset.done $0x0  }
0x76: {  	[sflag:s7] =	ssyncadd.s32 $0xFFFFFE00  }
0x77: {  	[tilespmem:s12], [sflag:$0x1] =	stream.indirect.gather [hbm4b:s0+s11], $0x80, s6, s11, $0xb8;
	[tilespmem:$0x10400] =	vst v63  }
0x78: {  	_ = 	snop  }
0x79: {  	[tilespmem:s13], [sflag:$0x1] =	stream.indirect.gather [hbm4b:s0+s11], $0x80, s11, s11, $0xb8;
	[tilespmem:$0x10400] =	vst v63  }
0x7a: {  	_ = 	snop  }
0x7b: {  	[tilespmem:s15], [sflag:$0x1] =	stream.indirect.gather [hbm4b:s0+s11], $0x80, s14, s11, $0xb8;
	[tilespmem:$0x10400] =	vst v63  }
0x7c: {  	_ = 	snop  }
0x7d: {  	[tilespmem:s17], [sflag:$0x1] =	stream.indirect.gather [hbm4b:s0+s11], $0x80, s16, s11, $0xb8;
	[tilespmem:$0x10400] =	vst v63  }
0x7e: {  	_ =	swait.ge [sflag:s18], $0x4000  }
0x7f: {  	[sflag:s18] =	ssyncset.done $0x0  }
0x80: {  	[sflag:s18] =	ssyncadd.s32 $0xFFFFC000  }
0x81: {  	_ =	swait.ge [sflag:s18], $0x4000  }
0x82: {  	[sflag:s18] =	ssyncset.done $0x0  }
0x83: {  	[sflag:s18] =	ssyncadd.s32 $0xFFFFC000  }
0x84: {  	_ =	swait.ge [sflag:s18], $0x4000  }
0x85: {  	[sflag:s18] =	ssyncset.done $0x0  }
0x86: {  	[sflag:s18] =	ssyncadd.s32 $0xFFFFC000  }
0x87: {  	_ =	swait.ge [sflag:s18], $0x4000  }
0x88: {  	[sflag:s18] =	ssyncset.done $0x0  }
0x89: {  	[sflag:s18] =	ssyncadd.s32 $0xFFFFC000  }
0x8a: {  	[hbm4b:s19+s6] =	stream.linear.scatter [tilespmem:s12], [sflag:$0x2], $0x10000, $0x38;
	[tilespmem:$0x10400] =	vst v63  }
0x8b: {  	_ =	swait.ge [sflag:s7], $0x10000  }
0x8c: {  	[sflag:s7] =	ssyncset.done $0x0  }
0x8d: {  	[sflag:s7] =	ssyncadd.s32 $0xFFFF0000  }
0x8e: {  	[tilespmem:s12], [sflag:$0x1] =	stream.indirect.gather [hbm4b:s1+s11], $0x80, s10, s11, $0xb8;
	[tilespmem:$0x10400] =	vst v63  }
0x8f: {  	_ = 	snop  }
0x90: {  	[tilespmem:s13], [sflag:$0x1] =	stream.indirect.gather [hbm4b:s1+s11], $0x80, s20, s11, $0xb8;
	[tilespmem:$0x10400] =	vst v63  }
0x91: {  	_ = 	snop  }
0x92: {  	[tilespmem:s15], [sflag:$0x1] =	stream.indirect.gather [hbm4b:s1+s11], $0x80, s21, s11, $0xb8;
	[tilespmem:$0x10400] =	vst v63  }
0x93: {  	_ = 	snop  }
0x94: {  	[tilespmem:s17], [sflag:$0x1] =	stream.indirect.gather [hbm4b:s1+s11], $0x80, s22, s11, $0xb8;
	[tilespmem:$0x10400] =	vst v63  }
0x95: {  	_ =	swait.ge [sflag:s18], $0x4000  }
0x96: {  	[sflag:s18] =	ssyncset.done $0x0  }
0x97: {  	[sflag:s18] =	ssyncadd.s32 $0xFFFFC000  }
0x98: {  	_ =	swait.ge [sflag:s18], $0x4000  }
0x99: {  	[sflag:s18] =	ssyncset.done $0x0  }
0x9a: {  	[sflag:s18] =	ssyncadd.s32 $0xFFFFC000  }
0x9b: {  	_ =	swait.ge [sflag:s18], $0x4000  }
0x9c: {  	[sflag:s18] =	ssyncset.done $0x0  }
0x9d: {  	[sflag:s18] =	ssyncadd.s32 $0xFFFFC000  }
0x9e: {  	_ =	swait.ge [sflag:s18], $0x4000  }
0x9f: {  	[sflag:s18] =	ssyncset.done $0x0  }
0xa0: {  	[sflag:s18] =	ssyncadd.s32 $0xFFFFC000  }
0xa1: {  	[hbm4b:s23+s6] =	stream.linear.scatter [tilespmem:s12], [sflag:$0x2], $0x10000, $0x38;
	[tilespmem:$0x10400] =	vst v63  }
0xa2: {  	_ =	swait.ge [sflag:s7], $0x10000  }
0xa3: {  	[sflag:s7] =	ssyncset.done $0x0  }
0xa4: {  	[sflag:s7] =	ssyncadd.s32 $0xFFFF0000  }
0xa5: {  	[tilespmem:s12], [sflag:$0x1] =	stream.indirect.gather [hbm4b:s3+s11], $0x80, s6, s11, $0xb8;
	[tilespmem:$0x10400] =	vst v63  }
0xa6: {  	_ = 	snop  }
0xa7: {  	[tilespmem:s13], [sflag:$0x1] =	stream.indirect.gather [hbm4b:s3+s11], $0x80, s11, s11, $0xb8;
	[tilespmem:$0x10400] =	vst v63  }
0xa8: {  	_ = 	snop  }
0xa9: {  	[tilespmem:s15], [sflag:$0x1] =	stream.indirect.gather [hbm4b:s3+s11], $0x80, s14, s11, $0xb8;
	[tilespmem:$0x10400] =	vst v63  }
0xaa: {  	_ = 	snop  }
0xab: {  	[tilespmem:s17], [sflag:$0x1] =	stream.indirect.gather [hbm4b:s3+s11], $0x80, s16, s11, $0xb8;
	[tilespmem:$0x10400] =	vst v63  }
0xac: {  	_ =	swait.ge [sflag:s18], $0x4000  }
0xad: {  	[sflag:s18] =	ssyncset.done $0x0  }
0xae: {  	[sflag:s18] =	ssyncadd.s32 $0xFFFFC000  }
0xaf: {  	_ =	swait.ge [sflag:s18], $0x4000  }
0xb0: {  	[sflag:s18] =	ssyncset.done $0x0  }
0xb1: {  	[sflag:s18] =	ssyncadd.s32 $0xFFFFC000  }
0xb2: {  	_ =	swait.ge [sflag:s18], $0x4000  }
0xb3: {  	[sflag:s18] =	ssyncset.done $0x0  }
0xb4: {  	[sflag:s18] =	ssyncadd.s32 $0xFFFFC000  }
0xb5: {  	_ =	swait.ge [sflag:s18], $0x4000  }
0xb6: {  	[sflag:s18] =	ssyncset.done $0x0  }
0xb7: {  	[sflag:s18] =	ssyncadd.s32 $0xFFFFC000  }
0xb8: {  	[hbm4b:s24+s6] =	stream.linear.scatter [tilespmem:s12], [sflag:$0x2], $0x10000, $0x38;
	[tilespmem:$0x10400] =	vst v63  }
0xb9: {  	_ =	swait.ge [sflag:s7], $0x10000  }
0xba: {  	[sflag:s7] =	ssyncset.done $0x0  }
0xbb: {  	[sflag:s7] =	ssyncadd.s32 $0xFFFF0000  }
0xbc: {  	[tilespmem:s12], [sflag:$0x1] =	stream.indirect.gather [hbm4b:s4+s11], $0x80, s10, s11, $0xb8;
	[tilespmem:$0x10400] =	vst v63  }
0xbd: {  	_ = 	snop  }
0xbe: {  	[tilespmem:s13], [sflag:$0x1] =	stream.indirect.gather [hbm4b:s4+s11], $0x80, s20, s11, $0xb8;
	[tilespmem:$0x10400] =	vst v63  }
0xbf: {  	_ = 	snop  }
0xc0: {  	[tilespmem:s15], [sflag:$0x1] =	stream.indirect.gather [hbm4b:s4+s11], $0x80, s21, s11, $0xb8;
	[tilespmem:$0x10400] =	vst v63  }
0xc1: {  	_ = 	snop  }
0xc2: {  	[tilespmem:s17], [sflag:$0x1] =	stream.indirect.gather [hbm4b:s4+s11], $0x80, s22, s11, $0xb8;
	[tilespmem:$0x10400] =	vst v63  }
0xc3: {  	_ =	swait.ge [sflag:s18], $0x4000  }
0xc4: {  	[sflag:s18] =	ssyncset.done $0x0  }
0xc5: {  	[sflag:s18] =	ssyncadd.s32 $0xFFFFC000  }
0xc6: {  	_ =	swait.ge [sflag:s18], $0x4000  }
0xc7: {  	[sflag:s18] =	ssyncset.done $0x0  }
0xc8: {  	[sflag:s18] =	ssyncadd.s32 $0xFFFFC000  }
0xc9: {  	_ =	swait.ge [sflag:s18], $0x4000  }
0xca: {  	[sflag:s18] =	ssyncset.done $0x0  }
0xcb: {  	[sflag:s18] =	ssyncadd.s32 $0xFFFFC000  }
0xcc: {  	_ =	swait.ge [sflag:s18], $0x4000  }
.Ltmp1:
0xcd: {  	[sflag:s18] =	ssyncset.done $0x0;
	(pc) =	sbr.rel @p0 .LBB2_1-.Ltmp1, $4  }
0xce: {  	[sflag:s18] =	ssyncadd.s32 $0xFFFFC000  }
0xcf: {  	[hbm4b:s25+s6] =	stream.linear.scatter [tilespmem:s12], [sflag:$0x2], $0x10000, $0x38;
	[tilespmem:$0x10400] =	vst v63  }
0xd0: {  	_ =	swait.ge [sflag:s7], $0x10000  }
0xd1: {  	[sflag:s7] =	ssyncset.done $0x0  }
.LBB2_2:
0xd2: {  	[sflag:s7] =	ssyncadd.s32 $0xFFFF0000  }
0xd3: {  	_ =	sfence.sel $0x180000  }
0xd4: {  	[bflag:$0x0] =	sbarrier.arrive $0xFFFF  }
0xd5: {  	p0 =	sne.s32 s2, $0x0;
	_ =	strace $0x90000047  }
0xd6: {  	s0 =	sadd.s32 @!p0 $0x100000, s5;
	[bflag:$0x2] =	sbarrier.arrive $0xFFFF  }
0xd7: {  	[sflag:s0] =	ssyncadd.tile.s32 @!p0 $0x1;
	_ =	shalt  }
.Lfunc_end2:
_tile_overlayer_lowered:
.L_overlay_start_2:
0xd8: {  	(tag) =	ssettag $0x2  }
0xd9: {  	s0 =	rddreg [dreg:$0x0];
	s2 =	stileid.u32  }
0xda: {  	s1 =	rddreg [dreg:$0x1];
	p0 =	sne.s32 s2, $0x0  }
0xdb: {  	s3 =	rddreg [dreg:$0x2];
	[bflag:$0x3] =	sbarrier.arrive $0xFFFF;
	s2 =	simm.s32 @!p0 $0x1C02  }
0xdc: {  	[timem:s3], [sflag:s2] =	dma.local @!p0 [hbm:s0], s1  }
0xdd: {  	s0 =	simm.s32 @!p0 $0x2  }
0xde: {  	_ =	swait.ge @!p0 [sflag:s0], s1  }
0xdf: {  	s1 =	ssub.s32 @!p0 $0x0, s1;
	[sflag:s0] =	ssyncset.done @!p0 $0x0  }
0xe0: {  	[sflag:s0] =	ssyncadd.s32 @!p0 s1  }
0xe1: {  	[bflag:$0x3] =	sbarrier.arrive $0xFFFF  }
0xe2: {  	_ =	shalt  }

</sc_bundles>
